<compile_context>
chip_gen: v7x
topology: tpu7x:2x2x1
jax: 0.10.2.dev20260603
libtpu: 0.0.44.dev20260713+nightly
codegen_flags: <defaults>
</compile_context>

<pallas_src>
import functools

import jax
import jax.numpy as jnp
from jax import lax
from jax.experimental import pallas as pl
from jax.experimental.pallas import tpu as pltpu
from jax.experimental.pallas import tpu_sc as plsc

_NC = 2
_NS = 16
_NW = _NC * _NS

_NBUF = 4
_NSP = 2


@functools.lru_cache(maxsize=None)
def _build(batch, hist, d):
    blk = batch // _NW
    assert blk * _NW == batch and blk <= 128 and blk % 8 == 0
    n_steady = max(0, (hist + 1 - 2 * _NBUF) // _NBUF * _NBUF)
    drain_lo = _NBUF + n_steady
    assert hist >= _NBUF + 2

    mesh = plsc.VectorSubcoreMesh(core_axis_name="c", subcore_axis_name="s")

    @functools.partial(
        pl.kernel,
        out_type=jax.ShapeDtypeStruct((hist, batch, d), jnp.float32),
        mesh=mesh,
        scratch_types=[
            pltpu.VMEM((hist, blk), jnp.int32),
            pltpu.VMEM((_NBUF, blk, d), jnp.float32),
            pltpu.VMEM_SHARED((_NS, _NSP, blk, d), jnp.float32),
        ]
        + [pltpu.SemaphoreType.DMA] * (_NBUF + 2 * _NSP),
    )
    def gather_kernel(idx_hbm, table_hbm, out_hbm, idx_v, rows_v, sp_v, *sems):
        wid = lax.axis_index("s") * _NC + lax.axis_index("c")
        sid = lax.axis_index("s")
        b0 = wid * blk
        gsem = sems[:_NBUF]
        csem = sems[_NBUF : _NBUF + _NSP]
        osem = sems[_NBUF + _NSP :]

        pltpu.sync_copy(idx_hbm.at[:, pl.ds(b0, blk)], idx_v)

        def start_gather(h, b):
            pltpu.async_copy(table_hbm.at[idx_v.at[h]], rows_v.at[b], gsem[b])

        def wait_gather(b):
            pltpu.make_async_copy(
                table_hbm.at[pl.ds(0, blk)], rows_v.at[b], gsem[b]
            ).wait()

        def start_copy(b, s):
            pltpu.async_copy(rows_v.at[b], sp_v.at[sid, s], csem[s])

        def wait_copy(s):
            pltpu.make_async_copy(rows_v.at[0], sp_v.at[sid, s], csem[s]).wait()

        def start_out(h, s):
            pltpu.async_copy(
                sp_v.at[sid, s], out_hbm.at[h, pl.ds(b0, blk)], osem[s]
            )

        def wait_out(s):
            pltpu.make_async_copy(
                sp_v.at[sid, s], out_hbm.at[0, pl.ds(0, blk)], osem[s]
            ).wait()

        for b in range(_NBUF):
            start_gather(b, b)

        def stage_a(i, first=False):
            wait_gather(i % _NBUF)
            if not first:
                wait_out(i % _NSP)
            start_copy(i % _NBUF, i % _NSP)

        def stage_b(i, refill=True):
            wait_copy(i % _NSP)
            start_out(i, i % _NSP)
            if refill:
                start_gather(i + _NBUF, i % _NBUF)

        stage_a(0, first=True)
        stage_a(1, first=_NSP > 1)
        stage_b(0)
        for i in range(2, _NBUF):
            stage_a(i)
            stage_b(i - 1)

        @pl.loop(_NBUF, _NBUF + n_steady, step=_NBUF)
        def _steady(g):
            for j in range(_NBUF):
                i = g + j
                wait_gather(j)
                wait_out(j % _NSP)
                start_copy(j, j % _NSP)
                jp = (j - 1) % _NBUF
                wait_copy((j - 1) % _NSP)
                start_out(i - 1, (j - 1) % _NSP)
                start_gather(i - 1 + _NBUF, jp)

        for i in range(drain_lo, hist):
            stage_a(i)
            stage_b(i - 1, refill=(i - 1 + _NBUF < hist))
        stage_b(hist - 1, refill=False)
        for s in range(_NSP):
            wait_out(s)

    return gather_kernel


def kernel(x, table):
    batch, hist = x.shape
    d = table.shape[1]
    gather_kernel = _build(batch, hist, d)
    out_t = gather_kernel(x.T.astype(jnp.int32), table)
    return jnp.transpose(out_t, (1, 0, 2))

# --- scband reference (transcript-rebuilt; emitter-appended) ---
"""Pipeline reference for scband-embedding-dict-26568667693571 (READ-ONLY COPY).

The authoritative reference and input builder live on the scoring server;
editing this copy changes nothing except your own understanding.
"""

import jax, jax.numpy as jnp
import numpy as np

NUM_EMBEDDINGS = 100000
EMBED_DIM = 128
BATCH = 4096
HIST = 50

def setup_inputs(seed: int = 0) -> dict:
    key = jax.random.key(seed)
    k_idx, k_tab = jax.random.split(key)
    x = jax.random.randint(k_idx, (BATCH, HIST), 0, NUM_EMBEDDINGS, dtype=jnp.int64 if jax.config.jax_enable_x64 else jnp.int32)
    table = jax.random.normal(k_tab, (NUM_EMBEDDINGS, EMBED_DIM), dtype=jnp.float32)
    return {"x": x, "table": table}

def reference(x, table):
    # EmbeddingDict forward: out = 0; for each embedding module: out += embedding(x)
    # Instantiated with a single module string "nn.Embedding" (ModuleDict keys are
    # the module strings, so duplicates collapse) -> out = table[x].
    out = 0.0
    out = out + jnp.take(table, x, axis=0)
    return out

if __name__ == "__main__":
    import jax
    _d = setup_inputs()
    print(jax.jit(kernel)(*tuple(_d.values())))

</pallas_src>

<mosaic_0001>
#map = affine_map<(d0, d1) -> (0, 0)>
#map1 = affine_map<(d0, d1) -> (0, 0, 0)>
module attributes {stable_mosaic.version = 14 : i64} {
  func.func @gather_kernel(%arg0: i32, %arg1: i32, %arg2: memref<50x4096xi32, #tpu.memory_space<hbm>>, %arg3: memref<100000x128xf32, #tpu.memory_space<hbm>>, %arg4: memref<50x4096x128xf32, #tpu.memory_space<hbm>>, %arg5: memref<50x128xi32, #tpu.memory_space<vmem>>, %arg6: memref<4x128x128xf32, #tpu.memory_space<vmem>>, %arg7: memref<16x2x128x128xf32, #tpu.memory_space<vmem_shared>>, %arg8: memref<!tpu.dma_semaphore, #tpu.memory_space<semaphore_mem>>, %arg9: memref<!tpu.dma_semaphore, #tpu.memory_space<semaphore_mem>>, %arg10: memref<!tpu.dma_semaphore, #tpu.memory_space<semaphore_mem>>, %arg11: memref<!tpu.dma_semaphore, #tpu.memory_space<semaphore_mem>>, %arg12: memref<!tpu.dma_semaphore, #tpu.memory_space<semaphore_mem>>, %arg13: memref<!tpu.dma_semaphore, #tpu.memory_space<semaphore_mem>>, %arg14: memref<!tpu.dma_semaphore, #tpu.memory_space<semaphore_mem>>, %arg15: memref<!tpu.dma_semaphore, #tpu.memory_space<semaphore_mem>>) attributes {dimension_semantics = [#tpu.dimension_semantics<core_parallel>, #tpu.dimension_semantics<subcore_parallel>], iteration_bounds = array<i64: 2, 16>, scalar_prefetch = 0 : i64, scratch_operands = 11 : i64, tpu.core_type = #tpu.core_type<sc_vector_subcore>, window_params = [{transform_indices = #map}, {transform_indices = #map}, {transform_indices = #map1}]} {
    %mul3A = arith.constant 2 : i32
    %mul3A_0 = arith.muli %arg1, %mul3A : i32
    %add3A = arith.addi %mul3A_0, %arg0 : i32
    %mul3A_1 = arith.constant 128 : i32
    %mul3A_2 = arith.muli %add3A, %mul3A_1 : i32
    "tpu.region"() ({
      %run_scoped3A = tpu.sem_alloc : memref<!tpu.dma_semaphore, #tpu.memory_space<semaphore_mem>>
      %dma_start3A_825 = arith.constant 0 : i32
      %dma_start3A_826 = tpu.memref_slice %arg2[%dma_start3A_825, %mul3A_2] : memref<50x4096xi32, #tpu.memory_space<hbm>> -> memref<50x128xi32, #tpu.memory_space<hbm>>
      %dma_start3A_827 = arith.constant 0 : i32
      %dma_start3A_828 = tpu.memref_slice %arg2[%dma_start3A_827, %mul3A_2] : memref<50x4096xi32, #tpu.memory_space<hbm>> -> memref<50x128xi32, #tpu.memory_space<hbm>>
      tpu.enqueue_dma source(%dma_start3A_828 : memref<50x128xi32, #tpu.memory_space<hbm>>) target(%arg5 : memref<50x128xi32, #tpu.memory_space<vmem>>) target_semaphore(%run_scoped3A : memref<!tpu.dma_semaphore, #tpu.memory_space<semaphore_mem>>)
      %dma_wait3A_829 = arith.constant 0 : i32
      %dma_wait3A_830 = tpu.memref_slice %arg2[%dma_wait3A_829, %mul3A_2] : memref<50x4096xi32, #tpu.memory_space<hbm>> -> memref<50x128xi32, #tpu.memory_space<hbm>>
      %dma_wait3A_831 = arith.constant 0 : i32
      %dma_wait3A_832 = tpu.memref_slice %arg2[%dma_wait3A_831, %mul3A_2] : memref<50x4096xi32, #tpu.memory_space<hbm>> -> memref<50x128xi32, #tpu.memory_space<hbm>>
      tpu.wait_dma2 semaphore(%run_scoped3A : memref<!tpu.dma_semaphore, #tpu.memory_space<semaphore_mem>>) src(%dma_wait3A_832 : memref<50x128xi32, #tpu.memory_space<hbm>>) dst(%arg5 : memref<50x128xi32, #tpu.memory_space<vmem>>)
      tpu.yield
    }) : () -> ()
    %dma_start3A = arith.constant 0 : i32
    %dma_start3A_3 = arith.constant 0 : i32
    %dma_start3A_4 = arith.constant 0 : i32
    %dma_start3A_5 = arith.constant 0 : i32
    %dma_start3A_6 = tpu.memref_slice %arg6[%dma_start3A_3, %dma_start3A_4, %dma_start3A_5] : memref<4x128x128xf32, #tpu.memory_space<vmem>> -> memref<1x128x128xf32, #tpu.memory_space<vmem>>
    %dma_start3A_7 = tpu.memref_squeeze %dma_start3A_6 : memref<1x128x128xf32, #tpu.memory_space<vmem>> -> memref<128x128xf32, #tpu.memory_space<vmem>>
    %dma_start3A_8 = arith.constant 0 : i32
    %dma_start3A_9 = tpu.memref_slice %arg5[%dma_start3A, %dma_start3A_8] : memref<50x128xi32, #tpu.memory_space<vmem>> -> memref<1x128xi32, #tpu.memory_space<vmem>>
    %dma_start3A_10 = tpu.memref_squeeze %dma_start3A_9 : memref<1x128xi32, #tpu.memory_space<vmem>> -> memref<128xi32, #tpu.memory_space<vmem>>
    %dma_start3A_11 = arith.constant 0 : i32
    %dma_start3A_12 = arith.constant 0 : i32
    %dma_start3A_13 = tpu.memref_slice %arg3[%dma_start3A_11, %dma_start3A_12] : memref<100000x128xf32, #tpu.memory_space<hbm>> -> memref<100000x128xf32, #tpu.memory_space<hbm>>
    tpu.enqueue_indirect_dma source(%dma_start3A_13 : memref<100000x128xf32, #tpu.memory_space<hbm>>) target(%dma_start3A_7 : memref<128x128xf32, #tpu.memory_space<vmem>>) offsets(%dma_start3A_10 : memref<128xi32, #tpu.memory_space<vmem>>) semaphore(%arg8 : memref<!tpu.dma_semaphore, #tpu.memory_space<semaphore_mem>>)
    %dma_start3A_14 = arith.constant 1 : i32
    %dma_start3A_15 = arith.constant 1 : i32
    %dma_start3A_16 = arith.constant 0 : i32
    %dma_start3A_17 = arith.constant 0 : i32
    %dma_start3A_18 = tpu.memref_slice %arg6[%dma_start3A_15, %dma_start3A_16, %dma_start3A_17] : memref<4x128x128xf32, #tpu.memory_space<vmem>> -> memref<1x128x128xf32, #tpu.memory_space<vmem>>
    %dma_start3A_19 = tpu.memref_squeeze %dma_start3A_18 : memref<1x128x128xf32, #tpu.memory_space<vmem>> -> memref<128x128xf32, #tpu.memory_space<vmem>>
    %dma_start3A_20 = arith.constant 0 : i32
    %dma_start3A_21 = tpu.memref_slice %arg5[%dma_start3A_14, %dma_start3A_20] : memref<50x128xi32, #tpu.memory_space<vmem>> -> memref<1x128xi32, #tpu.memory_space<vmem>>
    %dma_start3A_22 = tpu.memref_squeeze %dma_start3A_21 : memref<1x128xi32, #tpu.memory_space<vmem>> -> memref<128xi32, #tpu.memory_space<vmem>>
    %dma_start3A_23 = arith.constant 0 : i32
    %dma_start3A_24 = arith.constant 0 : i32
    %dma_start3A_25 = tpu.memref_slice %arg3[%dma_start3A_23, %dma_start3A_24] : memref<100000x128xf32, #tpu.memory_space<hbm>> -> memref<100000x128xf32, #tpu.memory_space<hbm>>
    tpu.enqueue_indirect_dma source(%dma_start3A_25 : memref<100000x128xf32, #tpu.memory_space<hbm>>) target(%dma_start3A_19 : memref<128x128xf32, #tpu.memory_space<vmem>>) offsets(%dma_start3A_22 : memref<128xi32, #tpu.memory_space<vmem>>) semaphore(%arg9 : memref<!tpu.dma_semaphore, #tpu.memory_space<semaphore_mem>>)
    %dma_start3A_26 = arith.constant 2 : i32
    %dma_start3A_27 = arith.constant 2 : i32
    %dma_start3A_28 = arith.constant 0 : i32
    %dma_start3A_29 = arith.constant 0 : i32
    %dma_start3A_30 = tpu.memref_slice %arg6[%dma_start3A_27, %dma_start3A_28, %dma_start3A_29] : memref<4x128x128xf32, #tpu.memory_space<vmem>> -> memref<1x128x128xf32, #tpu.memory_space<vmem>>
    %dma_start3A_31 = tpu.memref_squeeze %dma_start3A_30 : memref<1x128x128xf32, #tpu.memory_space<vmem>> -> memref<128x128xf32, #tpu.memory_space<vmem>>
    %dma_start3A_32 = arith.constant 0 : i32
    %dma_start3A_33 = tpu.memref_slice %arg5[%dma_start3A_26, %dma_start3A_32] : memref<50x128xi32, #tpu.memory_space<vmem>> -> memref<1x128xi32, #tpu.memory_space<vmem>>
    %dma_start3A_34 = tpu.memref_squeeze %dma_start3A_33 : memref<1x128xi32, #tpu.memory_space<vmem>> -> memref<128xi32, #tpu.memory_space<vmem>>
    %dma_start3A_35 = arith.constant 0 : i32
    %dma_start3A_36 = arith.constant 0 : i32
    %dma_start3A_37 = tpu.memref_slice %arg3[%dma_start3A_35, %dma_start3A_36] : memref<100000x128xf32, #tpu.memory_space<hbm>> -> memref<100000x128xf32, #tpu.memory_space<hbm>>
    tpu.enqueue_indirect_dma source(%dma_start3A_37 : memref<100000x128xf32, #tpu.memory_space<hbm>>) target(%dma_start3A_31 : memref<128x128xf32, #tpu.memory_space<vmem>>) offsets(%dma_start3A_34 : memref<128xi32, #tpu.memory_space<vmem>>) semaphore(%arg10 : memref<!tpu.dma_semaphore, #tpu.memory_space<semaphore_mem>>)
    %dma_start3A_38 = arith.constant 3 : i32
    %dma_start3A_39 = arith.constant 3 : i32
    %dma_start3A_40 = arith.constant 0 : i32
    %dma_start3A_41 = arith.constant 0 : i32
    %dma_start3A_42 = tpu.memref_slice %arg6[%dma_start3A_39, %dma_start3A_40, %dma_start3A_41] : memref<4x128x128xf32, #tpu.memory_space<vmem>> -> memref<1x128x128xf32, #tpu.memory_space<vmem>>
    %dma_start3A_43 = tpu.memref_squeeze %dma_start3A_42 : memref<1x128x128xf32, #tpu.memory_space<vmem>> -> memref<128x128xf32, #tpu.memory_space<vmem>>
    %dma_start3A_44 = arith.constant 0 : i32
    %dma_start3A_45 = tpu.memref_slice %arg5[%dma_start3A_38, %dma_start3A_44] : memref<50x128xi32, #tpu.memory_space<vmem>> -> memref<1x128xi32, #tpu.memory_space<vmem>>
    %dma_start3A_46 = tpu.memref_squeeze %dma_start3A_45 : memref<1x128xi32, #tpu.memory_space<vmem>> -> memref<128xi32, #tpu.memory_space<vmem>>
    %dma_start3A_47 = arith.constant 0 : i32
    %dma_start3A_48 = arith.constant 0 : i32
    %dma_start3A_49 = tpu.memref_slice %arg3[%dma_start3A_47, %dma_start3A_48] : memref<100000x128xf32, #tpu.memory_space<hbm>> -> memref<100000x128xf32, #tpu.memory_space<hbm>>
    tpu.enqueue_indirect_dma source(%dma_start3A_49 : memref<100000x128xf32, #tpu.memory_space<hbm>>) target(%dma_start3A_43 : memref<128x128xf32, #tpu.memory_space<vmem>>) offsets(%dma_start3A_46 : memref<128xi32, #tpu.memory_space<vmem>>) semaphore(%arg11 : memref<!tpu.dma_semaphore, #tpu.memory_space<semaphore_mem>>)
    %dma_wait3A = arith.constant 0 : i32
    %dma_wait3A_50 = arith.constant 0 : i32
    %dma_wait3A_51 = arith.constant 0 : i32
    %dma_wait3A_52 = tpu.memref_slice %arg6[%dma_wait3A, %dma_wait3A_50, %dma_wait3A_51] : memref<4x128x128xf32, #tpu.memory_space<vmem>> -> memref<1x128x128xf32, #tpu.memory_space<vmem>>
    %dma_wait3A_53 = tpu.memref_squeeze %dma_wait3A_52 : memref<1x128x128xf32, #tpu.memory_space<vmem>> -> memref<128x128xf32, #tpu.memory_space<vmem>>
    %dma_wait3A_54 = arith.constant 0 : i32
    %dma_wait3A_55 = arith.constant 0 : i32
    %dma_wait3A_56 = tpu.memref_slice %arg3[%dma_wait3A_54, %dma_wait3A_55] : memref<100000x128xf32, #tpu.memory_space<hbm>> -> memref<128x128xf32, #tpu.memory_space<hbm>>
    %dma_wait3A_57 = arith.constant 0 : i32
    %dma_wait3A_58 = arith.constant 0 : i32
    %dma_wait3A_59 = tpu.memref_slice %arg6[%dma_wait3A, %dma_wait3A_57, %dma_wait3A_58] : memref<4x128x128xf32, #tpu.memory_space<vmem>> -> memref<1x128x128xf32, #tpu.memory_space<vmem>>
    %dma_wait3A_60 = tpu.memref_squeeze %dma_wait3A_59 : memref<1x128x128xf32, #tpu.memory_space<vmem>> -> memref<128x128xf32, #tpu.memory_space<vmem>>
    %dma_wait3A_61 = arith.constant 0 : i32
    %dma_wait3A_62 = arith.constant 0 : i32
    %dma_wait3A_63 = tpu.memref_slice %arg3[%dma_wait3A_61, %dma_wait3A_62] : memref<100000x128xf32, #tpu.memory_space<hbm>> -> memref<128x128xf32, #tpu.memory_space<hbm>>
    tpu.wait_dma2 semaphore(%arg8 : memref<!tpu.dma_semaphore, #tpu.memory_space<semaphore_mem>>) src(%dma_wait3A_63 : memref<128x128xf32, #tpu.memory_space<hbm>>) dst(%dma_wait3A_60 : memref<128x128xf32, #tpu.memory_space<vmem>>)
    %dma_start3A_64 = arith.constant 0 : i32
    %dma_start3A_65 = arith.constant 0 : i32
    %dma_start3A_66 = arith.constant 0 : i32
    %dma_start3A_67 = arith.constant 0 : i32
    %dma_start3A_68 = tpu.memref_slice %arg6[%dma_start3A_64, %dma_start3A_66, %dma_start3A_67] : memref<4x128x128xf32, #tpu.memory_space<vmem>> -> memref<1x128x128xf32, #tpu.memory_space<vmem>>
    %dma_start3A_69 = tpu.memref_squeeze %dma_start3A_68 : memref<1x128x128xf32, #tpu.memory_space<vmem>> -> memref<128x128xf32, #tpu.memory_space<vmem>>
    %dma_start3A_70 = arith.constant 0 : i32
    %dma_start3A_71 = arith.constant 0 : i32
    %dma_start3A_72 = tpu.memref_slice %arg7[%arg1, %dma_start3A_65, %dma_start3A_70, %dma_start3A_71] : memref<16x2x128x128xf32, #tpu.memory_space<vmem_shared>> -> memref<1x1x128x128xf32, #tpu.memory_space<vmem_shared>>
    %dma_start3A_73 = tpu.memref_squeeze %dma_start3A_72 : memref<1x1x128x128xf32, #tpu.memory_space<vmem_shared>> -> memref<128x128xf32, #tpu.memory_space<vmem_shared>>
    %dma_start3A_74 = arith.constant 0 : i32
    %dma_start3A_75 = arith.constant 0 : i32
    %dma_start3A_76 = tpu.memref_slice %arg7[%arg1, %dma_start3A_65, %dma_start3A_74, %dma_start3A_75] : memref<16x2x128x128xf32, #tpu.memory_space<vmem_shared>> -> memref<1x1x128x128xf32, #tpu.memory_space<vmem_shared>>
    %dma_start3A_77 = tpu.memref_squeeze %dma_start3A_76 : memref<1x1x128x128xf32, #tpu.memory_space<vmem_shared>> -> memref<128x128xf32, #tpu.memory_space<vmem_shared>>
    %dma_start3A_78 = arith.constant 0 : i32
    %dma_start3A_79 = arith.constant 0 : i32
    %dma_start3A_80 = tpu.memref_slice %arg6[%dma_start3A_64, %dma_start3A_78, %dma_start3A_79] : memref<4x128x128xf32, #tpu.memory_space<vmem>> -> memref<1x128x128xf32, #tpu.memory_space<vmem>>
    %dma_start3A_81 = tpu.memref_squeeze %dma_start3A_80 : memref<1x128x128xf32, #tpu.memory_space<vmem>> -> memref<128x128xf32, #tpu.memory_space<vmem>>
    tpu.enqueue_dma source(%dma_start3A_81 : memref<128x128xf32, #tpu.memory_space<vmem>>) target(%dma_start3A_77 : memref<128x128xf32, #tpu.memory_space<vmem_shared>>) target_semaphore(%arg12 : memref<!tpu.dma_semaphore, #tpu.memory_space<semaphore_mem>>)
    %dma_wait3A_82 = arith.constant 1 : i32
    %dma_wait3A_83 = arith.constant 0 : i32
    %dma_wait3A_84 = arith.constant 0 : i32
    %dma_wait3A_85 = tpu.memref_slice %arg6[%dma_wait3A_82, %dma_wait3A_83, %dma_wait3A_84] : memref<4x128x128xf32, #tpu.memory_space<vmem>> -> memref<1x128x128xf32, #tpu.memory_space<vmem>>
    %dma_wait3A_86 = tpu.memref_squeeze %dma_wait3A_85 : memref<1x128x128xf32, #tpu.memory_space<vmem>> -> memref<128x128xf32, #tpu.memory_space<vmem>>
    %dma_wait3A_87 = arith.constant 0 : i32
    %dma_wait3A_88 = arith.constant 0 : i32
    %dma_wait3A_89 = tpu.memref_slice %arg3[%dma_wait3A_87, %dma_wait3A_88] : memref<100000x128xf32, #tpu.memory_space<hbm>> -> memref<128x128xf32, #tpu.memory_space<hbm>>
    %dma_wait3A_90 = arith.constant 0 : i32
    %dma_wait3A_91 = arith.constant 0 : i32
    %dma_wait3A_92 = tpu.memref_slice %arg6[%dma_wait3A_82, %dma_wait3A_90, %dma_wait3A_91] : memref<4x128x128xf32, #tpu.memory_space<vmem>> -> memref<1x128x128xf32, #tpu.memory_space<vmem>>
    %dma_wait3A_93 = tpu.memref_squeeze %dma_wait3A_92 : memref<1x128x128xf32, #tpu.memory_space<vmem>> -> memref<128x128xf32, #tpu.memory_space<vmem>>
    %dma_wait3A_94 = arith.constant 0 : i32
    %dma_wait3A_95 = arith.constant 0 : i32
    %dma_wait3A_96 = tpu.memref_slice %arg3[%dma_wait3A_94, %dma_wait3A_95] : memref<100000x128xf32, #tpu.memory_space<hbm>> -> memref<128x128xf32, #tpu.memory_space<hbm>>
    tpu.wait_dma2 semaphore(%arg9 : memref<!tpu.dma_semaphore, #tpu.memory_space<semaphore_mem>>) src(%dma_wait3A_96 : memref<128x128xf32, #tpu.memory_space<hbm>>) dst(%dma_wait3A_93 : memref<128x128xf32, #tpu.memory_space<vmem>>)
    %dma_start3A_97 = arith.constant 1 : i32
    %dma_start3A_98 = arith.constant 1 : i32
    %dma_start3A_99 = arith.constant 0 : i32
    %dma_start3A_100 = arith.constant 0 : i32
    %dma_start3A_101 = tpu.memref_slice %arg6[%dma_start3A_97, %dma_start3A_99, %dma_start3A_100] : memref<4x128x128xf32, #tpu.memory_space<vmem>> -> memref<1x128x128xf32, #tpu.memory_space<vmem>>
    %dma_start3A_102 = tpu.memref_squeeze %dma_start3A_101 : memref<1x128x128xf32, #tpu.memory_space<vmem>> -> memref<128x128xf32, #tpu.memory_space<vmem>>
    %dma_start3A_103 = arith.constant 0 : i32
    %dma_start3A_104 = arith.constant 0 : i32
    %dma_start3A_105 = tpu.memref_slice %arg7[%arg1, %dma_start3A_98, %dma_start3A_103, %dma_start3A_104] : memref<16x2x128x128xf32, #tpu.memory_space<vmem_shared>> -> memref<1x1x128x128xf32, #tpu.memory_space<vmem_shared>>
    %dma_start3A_106 = tpu.memref_squeeze %dma_start3A_105 : memref<1x1x128x128xf32, #tpu.memory_space<vmem_shared>> -> memref<128x128xf32, #tpu.memory_space<vmem_shared>>
    %dma_start3A_107 = arith.constant 0 : i32
    %dma_start3A_108 = arith.constant 0 : i32
    %dma_start3A_109 = tpu.memref_slice %arg7[%arg1, %dma_start3A_98, %dma_start3A_107, %dma_start3A_108] : memref<16x2x128x128xf32, #tpu.memory_space<vmem_shared>> -> memref<1x1x128x128xf32, #tpu.memory_space<vmem_shared>>
    %dma_start3A_110 = tpu.memref_squeeze %dma_start3A_109 : memref<1x1x128x128xf32, #tpu.memory_space<vmem_shared>> -> memref<128x128xf32, #tpu.memory_space<vmem_shared>>
    %dma_start3A_111 = arith.constant 0 : i32
    %dma_start3A_112 = arith.constant 0 : i32
    %dma_start3A_113 = tpu.memref_slice %arg6[%dma_start3A_97, %dma_start3A_111, %dma_start3A_112] : memref<4x128x128xf32, #tpu.memory_space<vmem>> -> memref<1x128x128xf32, #tpu.memory_space<vmem>>
    %dma_start3A_114 = tpu.memref_squeeze %dma_start3A_113 : memref<1x128x128xf32, #tpu.memory_space<vmem>> -> memref<128x128xf32, #tpu.memory_space<vmem>>
    tpu.enqueue_dma source(%dma_start3A_114 : memref<128x128xf32, #tpu.memory_space<vmem>>) target(%dma_start3A_110 : memref<128x128xf32, #tpu.memory_space<vmem_shared>>) target_semaphore(%arg13 : memref<!tpu.dma_semaphore, #tpu.memory_space<semaphore_mem>>)
    %dma_wait3A_115 = arith.constant 0 : i32
    %dma_wait3A_116 = arith.constant 0 : i32
    %dma_wait3A_117 = arith.constant 0 : i32
    %dma_wait3A_118 = arith.constant 0 : i32
    %dma_wait3A_119 = tpu.memref_slice %arg6[%dma_wait3A_115, %dma_wait3A_117, %dma_wait3A_118] : memref<4x128x128xf32, #tpu.memory_space<vmem>> -> memref<1x128x128xf32, #tpu.memory_space<vmem>>
    %dma_wait3A_120 = tpu.memref_squeeze %dma_wait3A_119 : memref<1x128x128xf32, #tpu.memory_space<vmem>> -> memref<128x128xf32, #tpu.memory_space<vmem>>
    %dma_wait3A_121 = arith.constant 0 : i32
    %dma_wait3A_122 = arith.constant 0 : i32
    %dma_wait3A_123 = tpu.memref_slice %arg7[%arg1, %dma_wait3A_116, %dma_wait3A_121, %dma_wait3A_122] : memref<16x2x128x128xf32, #tpu.memory_space<vmem_shared>> -> memref<1x1x128x128xf32, #tpu.memory_space<vmem_shared>>
    %dma_wait3A_124 = tpu.memref_squeeze %dma_wait3A_123 : memref<1x1x128x128xf32, #tpu.memory_space<vmem_shared>> -> memref<128x128xf32, #tpu.memory_space<vmem_shared>>
    %dma_wait3A_125 = arith.constant 0 : i32
    %dma_wait3A_126 = arith.constant 0 : i32
    %dma_wait3A_127 = tpu.memref_slice %arg7[%arg1, %dma_wait3A_116, %dma_wait3A_125, %dma_wait3A_126] : memref<16x2x128x128xf32, #tpu.memory_space<vmem_shared>> -> memref<1x1x128x128xf32, #tpu.memory_space<vmem_shared>>
    %dma_wait3A_128 = tpu.memref_squeeze %dma_wait3A_127 : memref<1x1x128x128xf32, #tpu.memory_space<vmem_shared>> -> memref<128x128xf32, #tpu.memory_space<vmem_shared>>
    %dma_wait3A_129 = arith.constant 0 : i32
    %dma_wait3A_130 = arith.constant 0 : i32
    %dma_wait3A_131 = tpu.memref_slice %arg6[%dma_wait3A_115, %dma_wait3A_129, %dma_wait3A_130] : memref<4x128x128xf32, #tpu.memory_space<vmem>> -> memref<1x128x128xf32, #tpu.memory_space<vmem>>
    %dma_wait3A_132 = tpu.memref_squeeze %dma_wait3A_131 : memref<1x128x128xf32, #tpu.memory_space<vmem>> -> memref<128x128xf32, #tpu.memory_space<vmem>>
    tpu.wait_dma2 semaphore(%arg12 : memref<!tpu.dma_semaphore, #tpu.memory_space<semaphore_mem>>) src(%dma_wait3A_132 : memref<128x128xf32, #tpu.memory_space<vmem>>) dst(%dma_wait3A_128 : memref<128x128xf32, #tpu.memory_space<vmem_shared>>)
    %dma_start3A_133 = arith.constant 0 : i32
    %dma_start3A_134 = arith.constant 0 : i32
    %dma_start3A_135 = arith.constant 0 : i32
    %dma_start3A_136 = tpu.memref_slice %arg4[%dma_start3A_134, %mul3A_2, %dma_start3A_135] : memref<50x4096x128xf32, #tpu.memory_space<hbm>> -> memref<1x128x128xf32, #tpu.memory_space<hbm>>
    %dma_start3A_137 = tpu.memref_squeeze %dma_start3A_136 : memref<1x128x128xf32, #tpu.memory_space<hbm>> -> memref<128x128xf32, #tpu.memory_space<hbm>>
    %dma_start3A_138 = arith.constant 0 : i32
    %dma_start3A_139 = arith.constant 0 : i32
    %dma_start3A_140 = tpu.memref_slice %arg7[%arg1, %dma_start3A_133, %dma_start3A_138, %dma_start3A_139] : memref<16x2x128x128xf32, #tpu.memory_space<vmem_shared>> -> memref<1x1x128x128xf32, #tpu.memory_space<vmem_shared>>
    %dma_start3A_141 = tpu.memref_squeeze %dma_start3A_140 : memref<1x1x128x128xf32, #tpu.memory_space<vmem_shared>> -> memref<128x128xf32, #tpu.memory_space<vmem_shared>>
    tpu.enqueue_dma source(%dma_start3A_141 : memref<128x128xf32, #tpu.memory_space<vmem_shared>>) target(%dma_start3A_137 : memref<128x128xf32, #tpu.memory_space<hbm>>) target_semaphore(%arg14 : memref<!tpu.dma_semaphore, #tpu.memory_space<semaphore_mem>>)
    %dma_start3A_142 = arith.constant 4 : i32
    %dma_start3A_143 = arith.constant 0 : i32
    %dma_start3A_144 = arith.constant 0 : i32
    %dma_start3A_145 = arith.constant 0 : i32
    %dma_start3A_146 = tpu.memref_slice %arg6[%dma_start3A_143, %dma_start3A_144, %dma_start3A_145] : memref<4x128x128xf32, #tpu.memory_space<vmem>> -> memref<1x128x128xf32, #tpu.memory_space<vmem>>
    %dma_start3A_147 = tpu.memref_squeeze %dma_start3A_146 : memref<1x128x128xf32, #tpu.memory_space<vmem>> -> memref<128x128xf32, #tpu.memory_space<vmem>>
    %dma_start3A_148 = arith.constant 0 : i32
    %dma_start3A_149 = tpu.memref_slice %arg5[%dma_start3A_142, %dma_start3A_148] : memref<50x128xi32, #tpu.memory_space<vmem>> -> memref<1x128xi32, #tpu.memory_space<vmem>>
    %dma_start3A_150 = tpu.memref_squeeze %dma_start3A_149 : memref<1x128xi32, #tpu.memory_space<vmem>> -> memref<128xi32, #tpu.memory_space<vmem>>
    %dma_start3A_151 = arith.constant 0 : i32
    %dma_start3A_152 = arith.constant 0 : i32
    %dma_start3A_153 = tpu.memref_slice %arg3[%dma_start3A_151, %dma_start3A_152] : memref<100000x128xf32, #tpu.memory_space<hbm>> -> memref<100000x128xf32, #tpu.memory_space<hbm>>
    tpu.enqueue_indirect_dma source(%dma_start3A_153 : memref<100000x128xf32, #tpu.memory_space<hbm>>) target(%dma_start3A_147 : memref<128x128xf32, #tpu.memory_space<vmem>>) offsets(%dma_start3A_150 : memref<128xi32, #tpu.memory_space<vmem>>) semaphore(%arg8 : memref<!tpu.dma_semaphore, #tpu.memory_space<semaphore_mem>>)
    %dma_wait3A_154 = arith.constant 2 : i32
    %dma_wait3A_155 = arith.constant 0 : i32
    %dma_wait3A_156 = arith.constant 0 : i32
    %dma_wait3A_157 = tpu.memref_slice %arg6[%dma_wait3A_154, %dma_wait3A_155, %dma_wait3A_156] : memref<4x128x128xf32, #tpu.memory_space<vmem>> -> memref<1x128x128xf32, #tpu.memory_space<vmem>>
    %dma_wait3A_158 = tpu.memref_squeeze %dma_wait3A_157 : memref<1x128x128xf32, #tpu.memory_space<vmem>> -> memref<128x128xf32, #tpu.memory_space<vmem>>
    %dma_wait3A_159 = arith.constant 0 : i32
    %dma_wait3A_160 = arith.constant 0 : i32
    %dma_wait3A_161 = tpu.memref_slice %arg3[%dma_wait3A_159, %dma_wait3A_160] : memref<100000x128xf32, #tpu.memory_space<hbm>> -> memref<128x128xf32, #tpu.memory_space<hbm>>
    %dma_wait3A_162 = arith.constant 0 : i32
    %dma_wait3A_163 = arith.constant 0 : i32
    %dma_wait3A_164 = tpu.memref_slice %arg6[%dma_wait3A_154, %dma_wait3A_162, %dma_wait3A_163] : memref<4x128x128xf32, #tpu.memory_space<vmem>> -> memref<1x128x128xf32, #tpu.memory_space<vmem>>
    %dma_wait3A_165 = tpu.memref_squeeze %dma_wait3A_164 : memref<1x128x128xf32, #tpu.memory_space<vmem>> -> memref<128x128xf32, #tpu.memory_space<vmem>>
    %dma_wait3A_166 = arith.constant 0 : i32
    %dma_wait3A_167 = arith.constant 0 : i32
    %dma_wait3A_168 = tpu.memref_slice %arg3[%dma_wait3A_166, %dma_wait3A_167] : memref<100000x128xf32, #tpu.memory_space<hbm>> -> memref<128x128xf32, #tpu.memory_space<hbm>>
    tpu.wait_dma2 semaphore(%arg10 : memref<!tpu.dma_semaphore, #tpu.memory_space<semaphore_mem>>) src(%dma_wait3A_168 : memref<128x128xf32, #tpu.memory_space<hbm>>) dst(%dma_wait3A_165 : memref<128x128xf32, #tpu.memory_space<vmem>>)
    %dma_wait3A_169 = arith.constant 0 : i32
    %dma_wait3A_170 = arith.constant 0 : i32
    %dma_wait3A_171 = arith.constant 0 : i32
    %dma_wait3A_172 = arith.constant 0 : i32
    %dma_wait3A_173 = tpu.memref_slice %arg4[%dma_wait3A_170, %dma_wait3A_171, %dma_wait3A_172] : memref<50x4096x128xf32, #tpu.memory_space<hbm>> -> memref<1x128x128xf32, #tpu.memory_space<hbm>>
    %dma_wait3A_174 = tpu.memref_squeeze %dma_wait3A_173 : memref<1x128x128xf32, #tpu.memory_space<hbm>> -> memref<128x128xf32, #tpu.memory_space<hbm>>
    %dma_wait3A_175 = arith.constant 0 : i32
    %dma_wait3A_176 = arith.constant 0 : i32
    %dma_wait3A_177 = tpu.memref_slice %arg7[%arg1, %dma_wait3A_169, %dma_wait3A_175, %dma_wait3A_176] : memref<16x2x128x128xf32, #tpu.memory_space<vmem_shared>> -> memref<1x1x128x128xf32, #tpu.memory_space<vmem_shared>>
    %dma_wait3A_178 = tpu.memref_squeeze %dma_wait3A_177 : memref<1x1x128x128xf32, #tpu.memory_space<vmem_shared>> -> memref<128x128xf32, #tpu.memory_space<vmem_shared>>
    tpu.wait_dma2 semaphore(%arg14 : memref<!tpu.dma_semaphore, #tpu.memory_space<semaphore_mem>>) src(%dma_wait3A_178 : memref<128x128xf32, #tpu.memory_space<vmem_shared>>) dst(%dma_wait3A_174 : memref<128x128xf32, #tpu.memory_space<hbm>>)
    %dma_start3A_179 = arith.constant 2 : i32
    %dma_start3A_180 = arith.constant 0 : i32
    %dma_start3A_181 = arith.constant 0 : i32
    %dma_start3A_182 = arith.constant 0 : i32
    %dma_start3A_183 = tpu.memref_slice %arg6[%dma_start3A_179, %dma_start3A_181, %dma_start3A_182] : memref<4x128x128xf32, #tpu.memory_space<vmem>> -> memref<1x128x128xf32, #tpu.memory_space<vmem>>
    %dma_start3A_184 = tpu.memref_squeeze %dma_start3A_183 : memref<1x128x128xf32, #tpu.memory_space<vmem>> -> memref<128x128xf32, #tpu.memory_space<vmem>>
    %dma_start3A_185 = arith.constant 0 : i32
    %dma_start3A_186 = arith.constant 0 : i32
    %dma_start3A_187 = tpu.memref_slice %arg7[%arg1, %dma_start3A_180, %dma_start3A_185, %dma_start3A_186] : memref<16x2x128x128xf32, #tpu.memory_space<vmem_shared>> -> memref<1x1x128x128xf32, #tpu.memory_space<vmem_shared>>
    %dma_start3A_188 = tpu.memref_squeeze %dma_start3A_187 : memref<1x1x128x128xf32, #tpu.memory_space<vmem_shared>> -> memref<128x128xf32, #tpu.memory_space<vmem_shared>>
    %dma_start3A_189 = arith.constant 0 : i32
    %dma_start3A_190 = arith.constant 0 : i32
    %dma_start3A_191 = tpu.memref_slice %arg7[%arg1, %dma_start3A_180, %dma_start3A_189, %dma_start3A_190] : memref<16x2x128x128xf32, #tpu.memory_space<vmem_shared>> -> memref<1x1x128x128xf32, #tpu.memory_space<vmem_shared>>
    %dma_start3A_192 = tpu.memref_squeeze %dma_start3A_191 : memref<1x1x128x128xf32, #tpu.memory_space<vmem_shared>> -> memref<128x128xf32, #tpu.memory_space<vmem_shared>>
    %dma_start3A_193 = arith.constant 0 : i32
    %dma_start3A_194 = arith.constant 0 : i32
    %dma_start3A_195 = tpu.memref_slice %arg6[%dma_start3A_179, %dma_start3A_193, %dma_start3A_194] : memref<4x128x128xf32, #tpu.memory_space<vmem>> -> memref<1x128x128xf32, #tpu.memory_space<vmem>>
    %dma_start3A_196 = tpu.memref_squeeze %dma_start3A_195 : memref<1x128x128xf32, #tpu.memory_space<vmem>> -> memref<128x128xf32, #tpu.memory_space<vmem>>
    tpu.enqueue_dma source(%dma_start3A_196 : memref<128x128xf32, #tpu.memory_space<vmem>>) target(%dma_start3A_192 : memref<128x128xf32, #tpu.memory_space<vmem_shared>>) target_semaphore(%arg12 : memref<!tpu.dma_semaphore, #tpu.memory_space<semaphore_mem>>)
    %dma_wait3A_197 = arith.constant 0 : i32
    %dma_wait3A_198 = arith.constant 1 : i32
    %dma_wait3A_199 = arith.constant 0 : i32
    %dma_wait3A_200 = arith.constant 0 : i32
    %dma_wait3A_201 = tpu.memref_slice %arg6[%dma_wait3A_197, %dma_wait3A_199, %dma_wait3A_200] : memref<4x128x128xf32, #tpu.memory_space<vmem>> -> memref<1x128x128xf32, #tpu.memory_space<vmem>>
    %dma_wait3A_202 = tpu.memref_squeeze %dma_wait3A_201 : memref<1x128x128xf32, #tpu.memory_space<vmem>> -> memref<128x128xf32, #tpu.memory_space<vmem>>
    %dma_wait3A_203 = arith.constant 0 : i32
    %dma_wait3A_204 = arith.constant 0 : i32
    %dma_wait3A_205 = tpu.memref_slice %arg7[%arg1, %dma_wait3A_198, %dma_wait3A_203, %dma_wait3A_204] : memref<16x2x128x128xf32, #tpu.memory_space<vmem_shared>> -> memref<1x1x128x128xf32, #tpu.memory_space<vmem_shared>>
    %dma_wait3A_206 = tpu.memref_squeeze %dma_wait3A_205 : memref<1x1x128x128xf32, #tpu.memory_space<vmem_shared>> -> memref<128x128xf32, #tpu.memory_space<vmem_shared>>
    %dma_wait3A_207 = arith.constant 0 : i32
    %dma_wait3A_208 = arith.constant 0 : i32
    %dma_wait3A_209 = tpu.memref_slice %arg7[%arg1, %dma_wait3A_198, %dma_wait3A_207, %dma_wait3A_208] : memref<16x2x128x128xf32, #tpu.memory_space<vmem_shared>> -> memref<1x1x128x128xf32, #tpu.memory_space<vmem_shared>>
    %dma_wait3A_210 = tpu.memref_squeeze %dma_wait3A_209 : memref<1x1x128x128xf32, #tpu.memory_space<vmem_shared>> -> memref<128x128xf32, #tpu.memory_space<vmem_shared>>
    %dma_wait3A_211 = arith.constant 0 : i32
    %dma_wait3A_212 = arith.constant 0 : i32
    %dma_wait3A_213 = tpu.memref_slice %arg6[%dma_wait3A_197, %dma_wait3A_211, %dma_wait3A_212] : memref<4x128x128xf32, #tpu.memory_space<vmem>> -> memref<1x128x128xf32, #tpu.memory_space<vmem>>
    %dma_wait3A_214 = tpu.memref_squeeze %dma_wait3A_213 : memref<1x128x128xf32, #tpu.memory_space<vmem>> -> memref<128x128xf32, #tpu.memory_space<vmem>>
    tpu.wait_dma2 semaphore(%arg13 : memref<!tpu.dma_semaphore, #tpu.memory_space<semaphore_mem>>) src(%dma_wait3A_214 : memref<128x128xf32, #tpu.memory_space<vmem>>) dst(%dma_wait3A_210 : memref<128x128xf32, #tpu.memory_space<vmem_shared>>)
    %dma_start3A_215 = arith.constant 1 : i32
    %dma_start3A_216 = arith.constant 1 : i32
    %dma_start3A_217 = arith.constant 0 : i32
    %dma_start3A_218 = tpu.memref_slice %arg4[%dma_start3A_216, %mul3A_2, %dma_start3A_217] : memref<50x4096x128xf32, #tpu.memory_space<hbm>> -> memref<1x128x128xf32, #tpu.memory_space<hbm>>
    %dma_start3A_219 = tpu.memref_squeeze %dma_start3A_218 : memref<1x128x128xf32, #tpu.memory_space<hbm>> -> memref<128x128xf32, #tpu.memory_space<hbm>>
    %dma_start3A_220 = arith.constant 0 : i32
    %dma_start3A_221 = arith.constant 0 : i32
    %dma_start3A_222 = tpu.memref_slice %arg7[%arg1, %dma_start3A_215, %dma_start3A_220, %dma_start3A_221] : memref<16x2x128x128xf32, #tpu.memory_space<vmem_shared>> -> memref<1x1x128x128xf32, #tpu.memory_space<vmem_shared>>
    %dma_start3A_223 = tpu.memref_squeeze %dma_start3A_222 : memref<1x1x128x128xf32, #tpu.memory_space<vmem_shared>> -> memref<128x128xf32, #tpu.memory_space<vmem_shared>>
    tpu.enqueue_dma source(%dma_start3A_223 : memref<128x128xf32, #tpu.memory_space<vmem_shared>>) target(%dma_start3A_219 : memref<128x128xf32, #tpu.memory_space<hbm>>) target_semaphore(%arg15 : memref<!tpu.dma_semaphore, #tpu.memory_space<semaphore_mem>>)
    %dma_start3A_224 = arith.constant 5 : i32
    %dma_start3A_225 = arith.constant 1 : i32
    %dma_start3A_226 = arith.constant 0 : i32
    %dma_start3A_227 = arith.constant 0 : i32
    %dma_start3A_228 = tpu.memref_slice %arg6[%dma_start3A_225, %dma_start3A_226, %dma_start3A_227] : memref<4x128x128xf32, #tpu.memory_space<vmem>> -> memref<1x128x128xf32, #tpu.memory_space<vmem>>
    %dma_start3A_229 = tpu.memref_squeeze %dma_start3A_228 : memref<1x128x128xf32, #tpu.memory_space<vmem>> -> memref<128x128xf32, #tpu.memory_space<vmem>>
    %dma_start3A_230 = arith.constant 0 : i32
    %dma_start3A_231 = tpu.memref_slice %arg5[%dma_start3A_224, %dma_start3A_230] : memref<50x128xi32, #tpu.memory_space<vmem>> -> memref<1x128xi32, #tpu.memory_space<vmem>>
    %dma_start3A_232 = tpu.memref_squeeze %dma_start3A_231 : memref<1x128xi32, #tpu.memory_space<vmem>> -> memref<128xi32, #tpu.memory_space<vmem>>
    %dma_start3A_233 = arith.constant 0 : i32
    %dma_start3A_234 = arith.constant 0 : i32
    %dma_start3A_235 = tpu.memref_slice %arg3[%dma_start3A_233, %dma_start3A_234] : memref<100000x128xf32, #tpu.memory_space<hbm>> -> memref<100000x128xf32, #tpu.memory_space<hbm>>
    tpu.enqueue_indirect_dma source(%dma_start3A_235 : memref<100000x128xf32, #tpu.memory_space<hbm>>) target(%dma_start3A_229 : memref<128x128xf32, #tpu.memory_space<vmem>>) offsets(%dma_start3A_232 : memref<128xi32, #tpu.memory_space<vmem>>) semaphore(%arg9 : memref<!tpu.dma_semaphore, #tpu.memory_space<semaphore_mem>>)
    %dma_wait3A_236 = arith.constant 3 : i32
    %dma_wait3A_237 = arith.constant 0 : i32
    %dma_wait3A_238 = arith.constant 0 : i32
    %dma_wait3A_239 = tpu.memref_slice %arg6[%dma_wait3A_236, %dma_wait3A_237, %dma_wait3A_238] : memref<4x128x128xf32, #tpu.memory_space<vmem>> -> memref<1x128x128xf32, #tpu.memory_space<vmem>>
    %dma_wait3A_240 = tpu.memref_squeeze %dma_wait3A_239 : memref<1x128x128xf32, #tpu.memory_space<vmem>> -> memref<128x128xf32, #tpu.memory_space<vmem>>
    %dma_wait3A_241 = arith.constant 0 : i32
    %dma_wait3A_242 = arith.constant 0 : i32
    %dma_wait3A_243 = tpu.memref_slice %arg3[%dma_wait3A_241, %dma_wait3A_242] : memref<100000x128xf32, #tpu.memory_space<hbm>> -> memref<128x128xf32, #tpu.memory_space<hbm>>
    %dma_wait3A_244 = arith.constant 0 : i32
    %dma_wait3A_245 = arith.constant 0 : i32
    %dma_wait3A_246 = tpu.memref_slice %arg6[%dma_wait3A_236, %dma_wait3A_244, %dma_wait3A_245] : memref<4x128x128xf32, #tpu.memory_space<vmem>> -> memref<1x128x128xf32, #tpu.memory_space<vmem>>
    %dma_wait3A_247 = tpu.memref_squeeze %dma_wait3A_246 : memref<1x128x128xf32, #tpu.memory_space<vmem>> -> memref<128x128xf32, #tpu.memory_space<vmem>>
    %dma_wait3A_248 = arith.constant 0 : i32
    %dma_wait3A_249 = arith.constant 0 : i32
    %dma_wait3A_250 = tpu.memref_slice %arg3[%dma_wait3A_248, %dma_wait3A_249] : memref<100000x128xf32, #tpu.memory_space<hbm>> -> memref<128x128xf32, #tpu.memory_space<hbm>>
    tpu.wait_dma2 semaphore(%arg11 : memref<!tpu.dma_semaphore, #tpu.memory_space<semaphore_mem>>) src(%dma_wait3A_250 : memref<128x128xf32, #tpu.memory_space<hbm>>) dst(%dma_wait3A_247 : memref<128x128xf32, #tpu.memory_space<vmem>>)
    %dma_wait3A_251 = arith.constant 1 : i32
    %dma_wait3A_252 = arith.constant 0 : i32
    %dma_wait3A_253 = arith.constant 0 : i32
    %dma_wait3A_254 = arith.constant 0 : i32
    %dma_wait3A_255 = tpu.memref_slice %arg4[%dma_wait3A_252, %dma_wait3A_253, %dma_wait3A_254] : memref<50x4096x128xf32, #tpu.memory_space<hbm>> -> memref<1x128x128xf32, #tpu.memory_space<hbm>>
    %dma_wait3A_256 = tpu.memref_squeeze %dma_wait3A_255 : memref<1x128x128xf32, #tpu.memory_space<hbm>> -> memref<128x128xf32, #tpu.memory_space<hbm>>
    %dma_wait3A_257 = arith.constant 0 : i32
    %dma_wait3A_258 = arith.constant 0 : i32
    %dma_wait3A_259 = tpu.memref_slice %arg7[%arg1, %dma_wait3A_251, %dma_wait3A_257, %dma_wait3A_258] : memref<16x2x128x128xf32, #tpu.memory_space<vmem_shared>> -> memref<1x1x128x128xf32, #tpu.memory_space<vmem_shared>>
    %dma_wait3A_260 = tpu.memref_squeeze %dma_wait3A_259 : memref<1x1x128x128xf32, #tpu.memory_space<vmem_shared>> -> memref<128x128xf32, #tpu.memory_space<vmem_shared>>
    tpu.wait_dma2 semaphore(%arg15 : memref<!tpu.dma_semaphore, #tpu.memory_space<semaphore_mem>>) src(%dma_wait3A_260 : memref<128x128xf32, #tpu.memory_space<vmem_shared>>) dst(%dma_wait3A_256 : memref<128x128xf32, #tpu.memory_space<hbm>>)
    %dma_start3A_261 = arith.constant 3 : i32
    %dma_start3A_262 = arith.constant 1 : i32
    %dma_start3A_263 = arith.constant 0 : i32
    %dma_start3A_264 = arith.constant 0 : i32
    %dma_start3A_265 = tpu.memref_slice %arg6[%dma_start3A_261, %dma_start3A_263, %dma_start3A_264] : memref<4x128x128xf32, #tpu.memory_space<vmem>> -> memref<1x128x128xf32, #tpu.memory_space<vmem>>
    %dma_start3A_266 = tpu.memref_squeeze %dma_start3A_265 : memref<1x128x128xf32, #tpu.memory_space<vmem>> -> memref<128x128xf32, #tpu.memory_space<vmem>>
    %dma_start3A_267 = arith.constant 0 : i32
    %dma_start3A_268 = arith.constant 0 : i32
    %dma_start3A_269 = tpu.memref_slice %arg7[%arg1, %dma_start3A_262, %dma_start3A_267, %dma_start3A_268] : memref<16x2x128x128xf32, #tpu.memory_space<vmem_shared>> -> memref<1x1x128x128xf32, #tpu.memory_space<vmem_shared>>
    %dma_start3A_270 = tpu.memref_squeeze %dma_start3A_269 : memref<1x1x128x128xf32, #tpu.memory_space<vmem_shared>> -> memref<128x128xf32, #tpu.memory_space<vmem_shared>>
    %dma_start3A_271 = arith.constant 0 : i32
    %dma_start3A_272 = arith.constant 0 : i32
    %dma_start3A_273 = tpu.memref_slice %arg7[%arg1, %dma_start3A_262, %dma_start3A_271, %dma_start3A_272] : memref<16x2x128x128xf32, #tpu.memory_space<vmem_shared>> -> memref<1x1x128x128xf32, #tpu.memory_space<vmem_shared>>
    %dma_start3A_274 = tpu.memref_squeeze %dma_start3A_273 : memref<1x1x128x128xf32, #tpu.memory_space<vmem_shared>> -> memref<128x128xf32, #tpu.memory_space<vmem_shared>>
    %dma_start3A_275 = arith.constant 0 : i32
    %dma_start3A_276 = arith.constant 0 : i32
    %dma_start3A_277 = tpu.memref_slice %arg6[%dma_start3A_261, %dma_start3A_275, %dma_start3A_276] : memref<4x128x128xf32, #tpu.memory_space<vmem>> -> memref<1x128x128xf32, #tpu.memory_space<vmem>>
    %dma_start3A_278 = tpu.memref_squeeze %dma_start3A_277 : memref<1x128x128xf32, #tpu.memory_space<vmem>> -> memref<128x128xf32, #tpu.memory_space<vmem>>
    tpu.enqueue_dma source(%dma_start3A_278 : memref<128x128xf32, #tpu.memory_space<vmem>>) target(%dma_start3A_274 : memref<128x128xf32, #tpu.memory_space<vmem_shared>>) target_semaphore(%arg13 : memref<!tpu.dma_semaphore, #tpu.memory_space<semaphore_mem>>)
    %dma_wait3A_279 = arith.constant 0 : i32
    %dma_wait3A_280 = arith.constant 0 : i32
    %dma_wait3A_281 = arith.constant 0 : i32
    %dma_wait3A_282 = arith.constant 0 : i32
    %dma_wait3A_283 = tpu.memref_slice %arg6[%dma_wait3A_279, %dma_wait3A_281, %dma_wait3A_282] : memref<4x128x128xf32, #tpu.memory_space<vmem>> -> memref<1x128x128xf32, #tpu.memory_space<vmem>>
    %dma_wait3A_284 = tpu.memref_squeeze %dma_wait3A_283 : memref<1x128x128xf32, #tpu.memory_space<vmem>> -> memref<128x128xf32, #tpu.memory_space<vmem>>
    %dma_wait3A_285 = arith.constant 0 : i32
    %dma_wait3A_286 = arith.constant 0 : i32
    %dma_wait3A_287 = tpu.memref_slice %arg7[%arg1, %dma_wait3A_280, %dma_wait3A_285, %dma_wait3A_286] : memref<16x2x128x128xf32, #tpu.memory_space<vmem_shared>> -> memref<1x1x128x128xf32, #tpu.memory_space<vmem_shared>>
    %dma_wait3A_288 = tpu.memref_squeeze %dma_wait3A_287 : memref<1x1x128x128xf32, #tpu.memory_space<vmem_shared>> -> memref<128x128xf32, #tpu.memory_space<vmem_shared>>
    %dma_wait3A_289 = arith.constant 0 : i32
    %dma_wait3A_290 = arith.constant 0 : i32
    %dma_wait3A_291 = tpu.memref_slice %arg7[%arg1, %dma_wait3A_280, %dma_wait3A_289, %dma_wait3A_290] : memref<16x2x128x128xf32, #tpu.memory_space<vmem_shared>> -> memref<1x1x128x128xf32, #tpu.memory_space<vmem_shared>>
    %dma_wait3A_292 = tpu.memref_squeeze %dma_wait3A_291 : memref<1x1x128x128xf32, #tpu.memory_space<vmem_shared>> -> memref<128x128xf32, #tpu.memory_space<vmem_shared>>
    %dma_wait3A_293 = arith.constant 0 : i32
    %dma_wait3A_294 = arith.constant 0 : i32
    %dma_wait3A_295 = tpu.memref_slice %arg6[%dma_wait3A_279, %dma_wait3A_293, %dma_wait3A_294] : memref<4x128x128xf32, #tpu.memory_space<vmem>> -> memref<1x128x128xf32, #tpu.memory_space<vmem>>
    %dma_wait3A_296 = tpu.memref_squeeze %dma_wait3A_295 : memref<1x128x128xf32, #tpu.memory_space<vmem>> -> memref<128x128xf32, #tpu.memory_space<vmem>>
    tpu.wait_dma2 semaphore(%arg12 : memref<!tpu.dma_semaphore, #tpu.memory_space<semaphore_mem>>) src(%dma_wait3A_296 : memref<128x128xf32, #tpu.memory_space<vmem>>) dst(%dma_wait3A_292 : memref<128x128xf32, #tpu.memory_space<vmem_shared>>)
    %dma_start3A_297 = arith.constant 0 : i32
    %dma_start3A_298 = arith.constant 2 : i32
    %dma_start3A_299 = arith.constant 0 : i32
    %dma_start3A_300 = tpu.memref_slice %arg4[%dma_start3A_298, %mul3A_2, %dma_start3A_299] : memref<50x4096x128xf32, #tpu.memory_space<hbm>> -> memref<1x128x128xf32, #tpu.memory_space<hbm>>
    %dma_start3A_301 = tpu.memref_squeeze %dma_start3A_300 : memref<1x128x128xf32, #tpu.memory_space<hbm>> -> memref<128x128xf32, #tpu.memory_space<hbm>>
    %dma_start3A_302 = arith.constant 0 : i32
    %dma_start3A_303 = arith.constant 0 : i32
    %dma_start3A_304 = tpu.memref_slice %arg7[%arg1, %dma_start3A_297, %dma_start3A_302, %dma_start3A_303] : memref<16x2x128x128xf32, #tpu.memory_space<vmem_shared>> -> memref<1x1x128x128xf32, #tpu.memory_space<vmem_shared>>
    %dma_start3A_305 = tpu.memref_squeeze %dma_start3A_304 : memref<1x1x128x128xf32, #tpu.memory_space<vmem_shared>> -> memref<128x128xf32, #tpu.memory_space<vmem_shared>>
    tpu.enqueue_dma source(%dma_start3A_305 : memref<128x128xf32, #tpu.memory_space<vmem_shared>>) target(%dma_start3A_301 : memref<128x128xf32, #tpu.memory_space<hbm>>) target_semaphore(%arg14 : memref<!tpu.dma_semaphore, #tpu.memory_space<semaphore_mem>>)
    %dma_start3A_306 = arith.constant 6 : i32
    %dma_start3A_307 = arith.constant 2 : i32
    %dma_start3A_308 = arith.constant 0 : i32
    %dma_start3A_309 = arith.constant 0 : i32
    %dma_start3A_310 = tpu.memref_slice %arg6[%dma_start3A_307, %dma_start3A_308, %dma_start3A_309] : memref<4x128x128xf32, #tpu.memory_space<vmem>> -> memref<1x128x128xf32, #tpu.memory_space<vmem>>
    %dma_start3A_311 = tpu.memref_squeeze %dma_start3A_310 : memref<1x128x128xf32, #tpu.memory_space<vmem>> -> memref<128x128xf32, #tpu.memory_space<vmem>>
    %dma_start3A_312 = arith.constant 0 : i32
    %dma_start3A_313 = tpu.memref_slice %arg5[%dma_start3A_306, %dma_start3A_312] : memref<50x128xi32, #tpu.memory_space<vmem>> -> memref<1x128xi32, #tpu.memory_space<vmem>>
    %dma_start3A_314 = tpu.memref_squeeze %dma_start3A_313 : memref<1x128xi32, #tpu.memory_space<vmem>> -> memref<128xi32, #tpu.memory_space<vmem>>
    %dma_start3A_315 = arith.constant 0 : i32
    %dma_start3A_316 = arith.constant 0 : i32
    %dma_start3A_317 = tpu.memref_slice %arg3[%dma_start3A_315, %dma_start3A_316] : memref<100000x128xf32, #tpu.memory_space<hbm>> -> memref<100000x128xf32, #tpu.memory_space<hbm>>
    tpu.enqueue_indirect_dma source(%dma_start3A_317 : memref<100000x128xf32, #tpu.memory_space<hbm>>) target(%dma_start3A_311 : memref<128x128xf32, #tpu.memory_space<vmem>>) offsets(%dma_start3A_314 : memref<128xi32, #tpu.memory_space<vmem>>) semaphore(%arg10 : memref<!tpu.dma_semaphore, #tpu.memory_space<semaphore_mem>>)
    %scan3A = arith.constant 0 : i32
    %scan3A_318 = arith.constant 10 : i32
    %scan3A_319 = arith.addi %scan3A, %scan3A_318 : i32
    %scan3A_320 = arith.constant 1 : i32
    scf.for %scan3A_825 = %scan3A to %scan3A_319 step %scan3A_320  : i32 {
      %mul3A_826 = arith.constant 4 : i32
      %mul3A_827 = arith.muli %scan3A_825, %mul3A_826 : i32
      %add3A_828 = arith.constant 4 : i32
      %add3A_829 = arith.addi %add3A_828, %mul3A_827 : i32
      %add3A_830 = arith.constant 0 : i32
      %add3A_831 = arith.addi %add3A_829, %add3A_830 : i32
      %dma_wait3A_832 = arith.constant 0 : i32
      %dma_wait3A_833 = arith.constant 0 : i32
      %dma_wait3A_834 = arith.constant 0 : i32
      %dma_wait3A_835 = tpu.memref_slice %arg6[%dma_wait3A_832, %dma_wait3A_833, %dma_wait3A_834] : memref<4x128x128xf32, #tpu.memory_space<vmem>> -> memref<1x128x128xf32, #tpu.memory_space<vmem>>
      %dma_wait3A_836 = tpu.memref_squeeze %dma_wait3A_835 : memref<1x128x128xf32, #tpu.memory_space<vmem>> -> memref<128x128xf32, #tpu.memory_space<vmem>>
      %dma_wait3A_837 = arith.constant 0 : i32
      %dma_wait3A_838 = arith.constant 0 : i32
      %dma_wait3A_839 = tpu.memref_slice %arg3[%dma_wait3A_837, %dma_wait3A_838] : memref<100000x128xf32, #tpu.memory_space<hbm>> -> memref<128x128xf32, #tpu.memory_space<hbm>>
      %dma_wait3A_840 = arith.constant 0 : i32
      %dma_wait3A_841 = arith.constant 0 : i32
      %dma_wait3A_842 = tpu.memref_slice %arg6[%dma_wait3A_832, %dma_wait3A_840, %dma_wait3A_841] : memref<4x128x128xf32, #tpu.memory_space<vmem>> -> memref<1x128x128xf32, #tpu.memory_space<vmem>>
      %dma_wait3A_843 = tpu.memref_squeeze %dma_wait3A_842 : memref<1x128x128xf32, #tpu.memory_space<vmem>> -> memref<128x128xf32, #tpu.memory_space<vmem>>
      %dma_wait3A_844 = arith.constant 0 : i32
      %dma_wait3A_845 = arith.constant 0 : i32
      %dma_wait3A_846 = tpu.memref_slice %arg3[%dma_wait3A_844, %dma_wait3A_845] : memref<100000x128xf32, #tpu.memory_space<hbm>> -> memref<128x128xf32, #tpu.memory_space<hbm>>
      tpu.wait_dma2 semaphore(%arg8 : memref<!tpu.dma_semaphore, #tpu.memory_space<semaphore_mem>>) src(%dma_wait3A_846 : memref<128x128xf32, #tpu.memory_space<hbm>>) dst(%dma_wait3A_843 : memref<128x128xf32, #tpu.memory_space<vmem>>)
      %dma_wait3A_847 = arith.constant 0 : i32
      %dma_wait3A_848 = arith.constant 0 : i32
      %dma_wait3A_849 = arith.constant 0 : i32
      %dma_wait3A_850 = arith.constant 0 : i32
      %dma_wait3A_851 = tpu.memref_slice %arg4[%dma_wait3A_848, %dma_wait3A_849, %dma_wait3A_850] : memref<50x4096x128xf32, #tpu.memory_space<hbm>> -> memref<1x128x128xf32, #tpu.memory_space<hbm>>
      %dma_wait3A_852 = tpu.memref_squeeze %dma_wait3A_851 : memref<1x128x128xf32, #tpu.memory_space<hbm>> -> memref<128x128xf32, #tpu.memory_space<hbm>>
      %dma_wait3A_853 = arith.constant 0 : i32
      %dma_wait3A_854 = arith.constant 0 : i32
      %dma_wait3A_855 = tpu.memref_slice %arg7[%arg1, %dma_wait3A_847, %dma_wait3A_853, %dma_wait3A_854] : memref<16x2x128x128xf32, #tpu.memory_space<vmem_shared>> -> memref<1x1x128x128xf32, #tpu.memory_space<vmem_shared>>
      %dma_wait3A_856 = tpu.memref_squeeze %dma_wait3A_855 : memref<1x1x128x128xf32, #tpu.memory_space<vmem_shared>> -> memref<128x128xf32, #tpu.memory_space<vmem_shared>>
      tpu.wait_dma2 semaphore(%arg14 : memref<!tpu.dma_semaphore, #tpu.memory_space<semaphore_mem>>) src(%dma_wait3A_856 : memref<128x128xf32, #tpu.memory_space<vmem_shared>>) dst(%dma_wait3A_852 : memref<128x128xf32, #tpu.memory_space<hbm>>)
      %dma_start3A_857 = arith.constant 0 : i32
      %dma_start3A_858 = arith.constant 0 : i32
      %dma_start3A_859 = arith.constant 0 : i32
      %dma_start3A_860 = arith.constant 0 : i32
      %dma_start3A_861 = tpu.memref_slice %arg6[%dma_start3A_857, %dma_start3A_859, %dma_start3A_860] : memref<4x128x128xf32, #tpu.memory_space<vmem>> -> memref<1x128x128xf32, #tpu.memory_space<vmem>>
      %dma_start3A_862 = tpu.memref_squeeze %dma_start3A_861 : memref<1x128x128xf32, #tpu.memory_space<vmem>> -> memref<128x128xf32, #tpu.memory_space<vmem>>
      %dma_start3A_863 = arith.constant 0 : i32
      %dma_start3A_864 = arith.constant 0 : i32
      %dma_start3A_865 = tpu.memref_slice %arg7[%arg1, %dma_start3A_858, %dma_start3A_863, %dma_start3A_864] : memref<16x2x128x128xf32, #tpu.memory_space<vmem_shared>> -> memref<1x1x128x128xf32, #tpu.memory_space<vmem_shared>>
      %dma_start3A_866 = tpu.memref_squeeze %dma_start3A_865 : memref<1x1x128x128xf32, #tpu.memory_space<vmem_shared>> -> memref<128x128xf32, #tpu.memory_space<vmem_shared>>
      %dma_start3A_867 = arith.constant 0 : i32
      %dma_start3A_868 = arith.constant 0 : i32
      %dma_start3A_869 = tpu.memref_slice %arg7[%arg1, %dma_start3A_858, %dma_start3A_867, %dma_start3A_868] : memref<16x2x128x128xf32, #tpu.memory_space<vmem_shared>> -> memref<1x1x128x128xf32, #tpu.memory_space<vmem_shared>>
      %dma_start3A_870 = tpu.memref_squeeze %dma_start3A_869 : memref<1x1x128x128xf32, #tpu.memory_space<vmem_shared>> -> memref<128x128xf32, #tpu.memory_space<vmem_shared>>
      %dma_start3A_871 = arith.constant 0 : i32
      %dma_start3A_872 = arith.constant 0 : i32
      %dma_start3A_873 = tpu.memref_slice %arg6[%dma_start3A_857, %dma_start3A_871, %dma_start3A_872] : memref<4x128x128xf32, #tpu.memory_space<vmem>> -> memref<1x128x128xf32, #tpu.memory_space<vmem>>
      %dma_start3A_874 = tpu.memref_squeeze %dma_start3A_873 : memref<1x128x128xf32, #tpu.memory_space<vmem>> -> memref<128x128xf32, #tpu.memory_space<vmem>>
      tpu.enqueue_dma source(%dma_start3A_874 : memref<128x128xf32, #tpu.memory_space<vmem>>) target(%dma_start3A_870 : memref<128x128xf32, #tpu.memory_space<vmem_shared>>) target_semaphore(%arg12 : memref<!tpu.dma_semaphore, #tpu.memory_space<semaphore_mem>>)
      %dma_wait3A_875 = arith.constant 0 : i32
      %dma_wait3A_876 = arith.constant 1 : i32
      %dma_wait3A_877 = arith.constant 0 : i32
      %dma_wait3A_878 = arith.constant 0 : i32
      %dma_wait3A_879 = tpu.memref_slice %arg6[%dma_wait3A_875, %dma_wait3A_877, %dma_wait3A_878] : memref<4x128x128xf32, #tpu.memory_space<vmem>> -> memref<1x128x128xf32, #tpu.memory_space<vmem>>
      %dma_wait3A_880 = tpu.memref_squeeze %dma_wait3A_879 : memref<1x128x128xf32, #tpu.memory_space<vmem>> -> memref<128x128xf32, #tpu.memory_space<vmem>>
      %dma_wait3A_881 = arith.constant 0 : i32
      %dma_wait3A_882 = arith.constant 0 : i32
      %dma_wait3A_883 = tpu.memref_slice %arg7[%arg1, %dma_wait3A_876, %dma_wait3A_881, %dma_wait3A_882] : memref<16x2x128x128xf32, #tpu.memory_space<vmem_shared>> -> memref<1x1x128x128xf32, #tpu.memory_space<vmem_shared>>
      %dma_wait3A_884 = tpu.memref_squeeze %dma_wait3A_883 : memref<1x1x128x128xf32, #tpu.memory_space<vmem_shared>> -> memref<128x128xf32, #tpu.memory_space<vmem_shared>>
      %dma_wait3A_885 = arith.constant 0 : i32
      %dma_wait3A_886 = arith.constant 0 : i32
      %dma_wait3A_887 = tpu.memref_slice %arg7[%arg1, %dma_wait3A_876, %dma_wait3A_885, %dma_wait3A_886] : memref<16x2x128x128xf32, #tpu.memory_space<vmem_shared>> -> memref<1x1x128x128xf32, #tpu.memory_space<vmem_shared>>
      %dma_wait3A_888 = tpu.memref_squeeze %dma_wait3A_887 : memref<1x1x128x128xf32, #tpu.memory_space<vmem_shared>> -> memref<128x128xf32, #tpu.memory_space<vmem_shared>>
      %dma_wait3A_889 = arith.constant 0 : i32
      %dma_wait3A_890 = arith.constant 0 : i32
      %dma_wait3A_891 = tpu.memref_slice %arg6[%dma_wait3A_875, %dma_wait3A_889, %dma_wait3A_890] : memref<4x128x128xf32, #tpu.memory_space<vmem>> -> memref<1x128x128xf32, #tpu.memory_space<vmem>>
      %dma_wait3A_892 = tpu.memref_squeeze %dma_wait3A_891 : memref<1x128x128xf32, #tpu.memory_space<vmem>> -> memref<128x128xf32, #tpu.memory_space<vmem>>
      tpu.wait_dma2 semaphore(%arg13 : memref<!tpu.dma_semaphore, #tpu.memory_space<semaphore_mem>>) src(%dma_wait3A_892 : memref<128x128xf32, #tpu.memory_space<vmem>>) dst(%dma_wait3A_888 : memref<128x128xf32, #tpu.memory_space<vmem_shared>>)
      %sub3A = arith.constant 1 : i32
      %sub3A_893 = arith.subi %add3A_831, %sub3A : i32
      %dma_start3A_894 = arith.constant 1 : i32
      %dma_start3A_895 = arith.constant 0 : i32
      %dma_start3A_896 = tpu.memref_slice %arg4[%sub3A_893, %mul3A_2, %dma_start3A_895] : memref<50x4096x128xf32, #tpu.memory_space<hbm>> -> memref<1x128x128xf32, #tpu.memory_space<hbm>>
      %dma_start3A_897 = tpu.memref_squeeze %dma_start3A_896 : memref<1x128x128xf32, #tpu.memory_space<hbm>> -> memref<128x128xf32, #tpu.memory_space<hbm>>
      %dma_start3A_898 = arith.constant 0 : i32
      %dma_start3A_899 = arith.constant 0 : i32
      %dma_start3A_900 = tpu.memref_slice %arg7[%arg1, %dma_start3A_894, %dma_start3A_898, %dma_start3A_899] : memref<16x2x128x128xf32, #tpu.memory_space<vmem_shared>> -> memref<1x1x128x128xf32, #tpu.memory_space<vmem_shared>>
      %dma_start3A_901 = tpu.memref_squeeze %dma_start3A_900 : memref<1x1x128x128xf32, #tpu.memory_space<vmem_shared>> -> memref<128x128xf32, #tpu.memory_space<vmem_shared>>
      tpu.enqueue_dma source(%dma_start3A_901 : memref<128x128xf32, #tpu.memory_space<vmem_shared>>) target(%dma_start3A_897 : memref<128x128xf32, #tpu.memory_space<hbm>>) target_semaphore(%arg15 : memref<!tpu.dma_semaphore, #tpu.memory_space<semaphore_mem>>)
      %sub3A_902 = arith.constant 1 : i32
      %sub3A_903 = arith.subi %add3A_831, %sub3A_902 : i32
      %add3A_904 = arith.constant 4 : i32
      %add3A_905 = arith.addi %sub3A_903, %add3A_904 : i32
      %dma_start3A_906 = arith.constant 3 : i32
      %dma_start3A_907 = arith.constant 0 : i32
      %dma_start3A_908 = arith.constant 0 : i32
      %dma_start3A_909 = tpu.memref_slice %arg6[%dma_start3A_906, %dma_start3A_907, %dma_start3A_908] : memref<4x128x128xf32, #tpu.memory_space<vmem>> -> memref<1x128x128xf32, #tpu.memory_space<vmem>>
      %dma_start3A_910 = tpu.memref_squeeze %dma_start3A_909 : memref<1x128x128xf32, #tpu.memory_space<vmem>> -> memref<128x128xf32, #tpu.memory_space<vmem>>
      %dma_start3A_911 = arith.constant 0 : i32
      %dma_start3A_912 = tpu.memref_slice %arg5[%add3A_905, %dma_start3A_911] : memref<50x128xi32, #tpu.memory_space<vmem>> -> memref<1x128xi32, #tpu.memory_space<vmem>>
      %dma_start3A_913 = tpu.memref_squeeze %dma_start3A_912 : memref<1x128xi32, #tpu.memory_space<vmem>> -> memref<128xi32, #tpu.memory_space<vmem>>
      %dma_start3A_914 = arith.constant 0 : i32
      %dma_start3A_915 = arith.constant 0 : i32
      %dma_start3A_916 = tpu.memref_slice %arg3[%dma_start3A_914, %dma_start3A_915] : memref<100000x128xf32, #tpu.memory_space<hbm>> -> memref<100000x128xf32, #tpu.memory_space<hbm>>
      tpu.enqueue_indirect_dma source(%dma_start3A_916 : memref<100000x128xf32, #tpu.memory_space<hbm>>) target(%dma_start3A_910 : memref<128x128xf32, #tpu.memory_space<vmem>>) offsets(%dma_start3A_913 : memref<128xi32, #tpu.memory_space<vmem>>) semaphore(%arg11 : memref<!tpu.dma_semaphore, #tpu.memory_space<semaphore_mem>>)
      %add3A_917 = arith.constant 1 : i32
      %add3A_918 = arith.addi %add3A_829, %add3A_917 : i32
      %dma_wait3A_919 = arith.constant 1 : i32
      %dma_wait3A_920 = arith.constant 0 : i32
      %dma_wait3A_921 = arith.constant 0 : i32
      %dma_wait3A_922 = tpu.memref_slice %arg6[%dma_wait3A_919, %dma_wait3A_920, %dma_wait3A_921] : memref<4x128x128xf32, #tpu.memory_space<vmem>> -> memref<1x128x128xf32, #tpu.memory_space<vmem>>
      %dma_wait3A_923 = tpu.memref_squeeze %dma_wait3A_922 : memref<1x128x128xf32, #tpu.memory_space<vmem>> -> memref<128x128xf32, #tpu.memory_space<vmem>>
      %dma_wait3A_924 = arith.constant 0 : i32
      %dma_wait3A_925 = arith.constant 0 : i32
      %dma_wait3A_926 = tpu.memref_slice %arg3[%dma_wait3A_924, %dma_wait3A_925] : memref<100000x128xf32, #tpu.memory_space<hbm>> -> memref<128x128xf32, #tpu.memory_space<hbm>>
      %dma_wait3A_927 = arith.constant 0 : i32
      %dma_wait3A_928 = arith.constant 0 : i32
      %dma_wait3A_929 = tpu.memref_slice %arg6[%dma_wait3A_919, %dma_wait3A_927, %dma_wait3A_928] : memref<4x128x128xf32, #tpu.memory_space<vmem>> -> memref<1x128x128xf32, #tpu.memory_space<vmem>>
      %dma_wait3A_930 = tpu.memref_squeeze %dma_wait3A_929 : memref<1x128x128xf32, #tpu.memory_space<vmem>> -> memref<128x128xf32, #tpu.memory_space<vmem>>
      %dma_wait3A_931 = arith.constant 0 : i32
      %dma_wait3A_932 = arith.constant 0 : i32
      %dma_wait3A_933 = tpu.memref_slice %arg3[%dma_wait3A_931, %dma_wait3A_932] : memref<100000x128xf32, #tpu.memory_space<hbm>> -> memref<128x128xf32, #tpu.memory_space<hbm>>
      tpu.wait_dma2 semaphore(%arg9 : memref<!tpu.dma_semaphore, #tpu.memory_space<semaphore_mem>>) src(%dma_wait3A_933 : memref<128x128xf32, #tpu.memory_space<hbm>>) dst(%dma_wait3A_930 : memref<128x128xf32, #tpu.memory_space<vmem>>)
      %dma_wait3A_934 = arith.constant 1 : i32
      %dma_wait3A_935 = arith.constant 0 : i32
      %dma_wait3A_936 = arith.constant 0 : i32
      %dma_wait3A_937 = arith.constant 0 : i32
      %dma_wait3A_938 = tpu.memref_slice %arg4[%dma_wait3A_935, %dma_wait3A_936, %dma_wait3A_937] : memref<50x4096x128xf32, #tpu.memory_space<hbm>> -> memref<1x128x128xf32, #tpu.memory_space<hbm>>
      %dma_wait3A_939 = tpu.memref_squeeze %dma_wait3A_938 : memref<1x128x128xf32, #tpu.memory_space<hbm>> -> memref<128x128xf32, #tpu.memory_space<hbm>>
      %dma_wait3A_940 = arith.constant 0 : i32
      %dma_wait3A_941 = arith.constant 0 : i32
      %dma_wait3A_942 = tpu.memref_slice %arg7[%arg1, %dma_wait3A_934, %dma_wait3A_940, %dma_wait3A_941] : memref<16x2x128x128xf32, #tpu.memory_space<vmem_shared>> -> memref<1x1x128x128xf32, #tpu.memory_space<vmem_shared>>
      %dma_wait3A_943 = tpu.memref_squeeze %dma_wait3A_942 : memref<1x1x128x128xf32, #tpu.memory_space<vmem_shared>> -> memref<128x128xf32, #tpu.memory_space<vmem_shared>>
      tpu.wait_dma2 semaphore(%arg15 : memref<!tpu.dma_semaphore, #tpu.memory_space<semaphore_mem>>) src(%dma_wait3A_943 : memref<128x128xf32, #tpu.memory_space<vmem_shared>>) dst(%dma_wait3A_939 : memref<128x128xf32, #tpu.memory_space<hbm>>)
      %dma_start3A_944 = arith.constant 1 : i32
      %dma_start3A_945 = arith.constant 1 : i32
      %dma_start3A_946 = arith.constant 0 : i32
      %dma_start3A_947 = arith.constant 0 : i32
      %dma_start3A_948 = tpu.memref_slice %arg6[%dma_start3A_944, %dma_start3A_946, %dma_start3A_947] : memref<4x128x128xf32, #tpu.memory_space<vmem>> -> memref<1x128x128xf32, #tpu.memory_space<vmem>>
      %dma_start3A_949 = tpu.memref_squeeze %dma_start3A_948 : memref<1x128x128xf32, #tpu.memory_space<vmem>> -> memref<128x128xf32, #tpu.memory_space<vmem>>
      %dma_start3A_950 = arith.constant 0 : i32
      %dma_start3A_951 = arith.constant 0 : i32
      %dma_start3A_952 = tpu.memref_slice %arg7[%arg1, %dma_start3A_945, %dma_start3A_950, %dma_start3A_951] : memref<16x2x128x128xf32, #tpu.memory_space<vmem_shared>> -> memref<1x1x128x128xf32, #tpu.memory_space<vmem_shared>>
      %dma_start3A_953 = tpu.memref_squeeze %dma_start3A_952 : memref<1x1x128x128xf32, #tpu.memory_space<vmem_shared>> -> memref<128x128xf32, #tpu.memory_space<vmem_shared>>
      %dma_start3A_954 = arith.constant 0 : i32
      %dma_start3A_955 = arith.constant 0 : i32
      %dma_start3A_956 = tpu.memref_slice %arg7[%arg1, %dma_start3A_945, %dma_start3A_954, %dma_start3A_955] : memref<16x2x128x128xf32, #tpu.memory_space<vmem_shared>> -> memref<1x1x128x128xf32, #tpu.memory_space<vmem_shared>>
      %dma_start3A_957 = tpu.memref_squeeze %dma_start3A_956 : memref<1x1x128x128xf32, #tpu.memory_space<vmem_shared>> -> memref<128x128xf32, #tpu.memory_space<vmem_shared>>
      %dma_start3A_958 = arith.constant 0 : i32
      %dma_start3A_959 = arith.constant 0 : i32
      %dma_start3A_960 = tpu.memref_slice %arg6[%dma_start3A_944, %dma_start3A_958, %dma_start3A_959] : memref<4x128x128xf32, #tpu.memory_space<vmem>> -> memref<1x128x128xf32, #tpu.memory_space<vmem>>
      %dma_start3A_961 = tpu.memref_squeeze %dma_start3A_960 : memref<1x128x128xf32, #tpu.memory_space<vmem>> -> memref<128x128xf32, #tpu.memory_space<vmem>>
      tpu.enqueue_dma source(%dma_start3A_961 : memref<128x128xf32, #tpu.memory_space<vmem>>) target(%dma_start3A_957 : memref<128x128xf32, #tpu.memory_space<vmem_shared>>) target_semaphore(%arg13 : memref<!tpu.dma_semaphore, #tpu.memory_space<semaphore_mem>>)
      %dma_wait3A_962 = arith.constant 0 : i32
      %dma_wait3A_963 = arith.constant 0 : i32
      %dma_wait3A_964 = arith.constant 0 : i32
      %dma_wait3A_965 = arith.constant 0 : i32
      %dma_wait3A_966 = tpu.memref_slice %arg6[%dma_wait3A_962, %dma_wait3A_964, %dma_wait3A_965] : memref<4x128x128xf32, #tpu.memory_space<vmem>> -> memref<1x128x128xf32, #tpu.memory_space<vmem>>
      %dma_wait3A_967 = tpu.memref_squeeze %dma_wait3A_966 : memref<1x128x128xf32, #tpu.memory_space<vmem>> -> memref<128x128xf32, #tpu.memory_space<vmem>>
      %dma_wait3A_968 = arith.constant 0 : i32
      %dma_wait3A_969 = arith.constant 0 : i32
      %dma_wait3A_970 = tpu.memref_slice %arg7[%arg1, %dma_wait3A_963, %dma_wait3A_968, %dma_wait3A_969] : memref<16x2x128x128xf32, #tpu.memory_space<vmem_shared>> -> memref<1x1x128x128xf32, #tpu.memory_space<vmem_shared>>
      %dma_wait3A_971 = tpu.memref_squeeze %dma_wait3A_970 : memref<1x1x128x128xf32, #tpu.memory_space<vmem_shared>> -> memref<128x128xf32, #tpu.memory_space<vmem_shared>>
      %dma_wait3A_972 = arith.constant 0 : i32
      %dma_wait3A_973 = arith.constant 0 : i32
      %dma_wait3A_974 = tpu.memref_slice %arg7[%arg1, %dma_wait3A_963, %dma_wait3A_972, %dma_wait3A_973] : memref<16x2x128x128xf32, #tpu.memory_space<vmem_shared>> -> memref<1x1x128x128xf32, #tpu.memory_space<vmem_shared>>
      %dma_wait3A_975 = tpu.memref_squeeze %dma_wait3A_974 : memref<1x1x128x128xf32, #tpu.memory_space<vmem_shared>> -> memref<128x128xf32, #tpu.memory_space<vmem_shared>>
      %dma_wait3A_976 = arith.constant 0 : i32
      %dma_wait3A_977 = arith.constant 0 : i32
      %dma_wait3A_978 = tpu.memref_slice %arg6[%dma_wait3A_962, %dma_wait3A_976, %dma_wait3A_977] : memref<4x128x128xf32, #tpu.memory_space<vmem>> -> memref<1x128x128xf32, #tpu.memory_space<vmem>>
      %dma_wait3A_979 = tpu.memref_squeeze %dma_wait3A_978 : memref<1x128x128xf32, #tpu.memory_space<vmem>> -> memref<128x128xf32, #tpu.memory_space<vmem>>
      tpu.wait_dma2 semaphore(%arg12 : memref<!tpu.dma_semaphore, #tpu.memory_space<semaphore_mem>>) src(%dma_wait3A_979 : memref<128x128xf32, #tpu.memory_space<vmem>>) dst(%dma_wait3A_975 : memref<128x128xf32, #tpu.memory_space<vmem_shared>>)
      %sub3A_980 = arith.constant 1 : i32
      %sub3A_981 = arith.subi %add3A_918, %sub3A_980 : i32
      %dma_start3A_982 = arith.constant 0 : i32
      %dma_start3A_983 = arith.constant 0 : i32
      %dma_start3A_984 = tpu.memref_slice %arg4[%sub3A_981, %mul3A_2, %dma_start3A_983] : memref<50x4096x128xf32, #tpu.memory_space<hbm>> -> memref<1x128x128xf32, #tpu.memory_space<hbm>>
      %dma_start3A_985 = tpu.memref_squeeze %dma_start3A_984 : memref<1x128x128xf32, #tpu.memory_space<hbm>> -> memref<128x128xf32, #tpu.memory_space<hbm>>
      %dma_start3A_986 = arith.constant 0 : i32
      %dma_start3A_987 = arith.constant 0 : i32
      %dma_start3A_988 = tpu.memref_slice %arg7[%arg1, %dma_start3A_982, %dma_start3A_986, %dma_start3A_987] : memref<16x2x128x128xf32, #tpu.memory_space<vmem_shared>> -> memref<1x1x128x128xf32, #tpu.memory_space<vmem_shared>>
      %dma_start3A_989 = tpu.memref_squeeze %dma_start3A_988 : memref<1x1x128x128xf32, #tpu.memory_space<vmem_shared>> -> memref<128x128xf32, #tpu.memory_space<vmem_shared>>
      tpu.enqueue_dma source(%dma_start3A_989 : memref<128x128xf32, #tpu.memory_space<vmem_shared>>) target(%dma_start3A_985 : memref<128x128xf32, #tpu.memory_space<hbm>>) target_semaphore(%arg14 : memref<!tpu.dma_semaphore, #tpu.memory_space<semaphore_mem>>)
      %sub3A_990 = arith.constant 1 : i32
      %sub3A_991 = arith.subi %add3A_918, %sub3A_990 : i32
      %add3A_992 = arith.constant 4 : i32
      %add3A_993 = arith.addi %sub3A_991, %add3A_992 : i32
      %dma_start3A_994 = arith.constant 0 : i32
      %dma_start3A_995 = arith.constant 0 : i32
      %dma_start3A_996 = arith.constant 0 : i32
      %dma_start3A_997 = tpu.memref_slice %arg6[%dma_start3A_994, %dma_start3A_995, %dma_start3A_996] : memref<4x128x128xf32, #tpu.memory_space<vmem>> -> memref<1x128x128xf32, #tpu.memory_space<vmem>>
      %dma_start3A_998 = tpu.memref_squeeze %dma_start3A_997 : memref<1x128x128xf32, #tpu.memory_space<vmem>> -> memref<128x128xf32, #tpu.memory_space<vmem>>
      %dma_start3A_999 = arith.constant 0 : i32
      %dma_start3A_1000 = tpu.memref_slice %arg5[%add3A_993, %dma_start3A_999] : memref<50x128xi32, #tpu.memory_space<vmem>> -> memref<1x128xi32, #tpu.memory_space<vmem>>
      %dma_start3A_1001 = tpu.memref_squeeze %dma_start3A_1000 : memref<1x128xi32, #tpu.memory_space<vmem>> -> memref<128xi32, #tpu.memory_space<vmem>>
      %dma_start3A_1002 = arith.constant 0 : i32
      %dma_start3A_1003 = arith.constant 0 : i32
      %dma_start3A_1004 = tpu.memref_slice %arg3[%dma_start3A_1002, %dma_start3A_1003] : memref<100000x128xf32, #tpu.memory_space<hbm>> -> memref<100000x128xf32, #tpu.memory_space<hbm>>
      tpu.enqueue_indirect_dma source(%dma_start3A_1004 : memref<100000x128xf32, #tpu.memory_space<hbm>>) target(%dma_start3A_998 : memref<128x128xf32, #tpu.memory_space<vmem>>) offsets(%dma_start3A_1001 : memref<128xi32, #tpu.memory_space<vmem>>) semaphore(%arg8 : memref<!tpu.dma_semaphore, #tpu.memory_space<semaphore_mem>>)
      %add3A_1005 = arith.constant 2 : i32
      %add3A_1006 = arith.addi %add3A_829, %add3A_1005 : i32
      %dma_wait3A_1007 = arith.constant 2 : i32
      %dma_wait3A_1008 = arith.constant 0 : i32
      %dma_wait3A_1009 = arith.constant 0 : i32
      %dma_wait3A_1010 = tpu.memref_slice %arg6[%dma_wait3A_1007, %dma_wait3A_1008, %dma_wait3A_1009] : memref<4x128x128xf32, #tpu.memory_space<vmem>> -> memref<1x128x128xf32, #tpu.memory_space<vmem>>
      %dma_wait3A_1011 = tpu.memref_squeeze %dma_wait3A_1010 : memref<1x128x128xf32, #tpu.memory_space<vmem>> -> memref<128x128xf32, #tpu.memory_space<vmem>>
      %dma_wait3A_1012 = arith.constant 0 : i32
      %dma_wait3A_1013 = arith.constant 0 : i32
      %dma_wait3A_1014 = tpu.memref_slice %arg3[%dma_wait3A_1012, %dma_wait3A_1013] : memref<100000x128xf32, #tpu.memory_space<hbm>> -> memref<128x128xf32, #tpu.memory_space<hbm>>
      %dma_wait3A_1015 = arith.constant 0 : i32
      %dma_wait3A_1016 = arith.constant 0 : i32
      %dma_wait3A_1017 = tpu.memref_slice %arg6[%dma_wait3A_1007, %dma_wait3A_1015, %dma_wait3A_1016] : memref<4x128x128xf32, #tpu.memory_space<vmem>> -> memref<1x128x128xf32, #tpu.memory_space<vmem>>
      %dma_wait3A_1018 = tpu.memref_squeeze %dma_wait3A_1017 : memref<1x128x128xf32, #tpu.memory_space<vmem>> -> memref<128x128xf32, #tpu.memory_space<vmem>>
      %dma_wait3A_1019 = arith.constant 0 : i32
      %dma_wait3A_1020 = arith.constant 0 : i32
      %dma_wait3A_1021 = tpu.memref_slice %arg3[%dma_wait3A_1019, %dma_wait3A_1020] : memref<100000x128xf32, #tpu.memory_space<hbm>> -> memref<128x128xf32, #tpu.memory_space<hbm>>
      tpu.wait_dma2 semaphore(%arg10 : memref<!tpu.dma_semaphore, #tpu.memory_space<semaphore_mem>>) src(%dma_wait3A_1021 : memref<128x128xf32, #tpu.memory_space<hbm>>) dst(%dma_wait3A_1018 : memref<128x128xf32, #tpu.memory_space<vmem>>)
      %dma_wait3A_1022 = arith.constant 0 : i32
      %dma_wait3A_1023 = arith.constant 0 : i32
      %dma_wait3A_1024 = arith.constant 0 : i32
      %dma_wait3A_1025 = arith.constant 0 : i32
      %dma_wait3A_1026 = tpu.memref_slice %arg4[%dma_wait3A_1023, %dma_wait3A_1024, %dma_wait3A_1025] : memref<50x4096x128xf32, #tpu.memory_space<hbm>> -> memref<1x128x128xf32, #tpu.memory_space<hbm>>
      %dma_wait3A_1027 = tpu.memref_squeeze %dma_wait3A_1026 : memref<1x128x128xf32, #tpu.memory_space<hbm>> -> memref<128x128xf32, #tpu.memory_space<hbm>>
      %dma_wait3A_1028 = arith.constant 0 : i32
      %dma_wait3A_1029 = arith.constant 0 : i32
      %dma_wait3A_1030 = tpu.memref_slice %arg7[%arg1, %dma_wait3A_1022, %dma_wait3A_1028, %dma_wait3A_1029] : memref<16x2x128x128xf32, #tpu.memory_space<vmem_shared>> -> memref<1x1x128x128xf32, #tpu.memory_space<vmem_shared>>
      %dma_wait3A_1031 = tpu.memref_squeeze %dma_wait3A_1030 : memref<1x1x128x128xf32, #tpu.memory_space<vmem_shared>> -> memref<128x128xf32, #tpu.memory_space<vmem_shared>>
      tpu.wait_dma2 semaphore(%arg14 : memref<!tpu.dma_semaphore, #tpu.memory_space<semaphore_mem>>) src(%dma_wait3A_1031 : memref<128x128xf32, #tpu.memory_space<vmem_shared>>) dst(%dma_wait3A_1027 : memref<128x128xf32, #tpu.memory_space<hbm>>)
      %dma_start3A_1032 = arith.constant 2 : i32
      %dma_start3A_1033 = arith.constant 0 : i32
      %dma_start3A_1034 = arith.constant 0 : i32
      %dma_start3A_1035 = arith.constant 0 : i32
      %dma_start3A_1036 = tpu.memref_slice %arg6[%dma_start3A_1032, %dma_start3A_1034, %dma_start3A_1035] : memref<4x128x128xf32, #tpu.memory_space<vmem>> -> memref<1x128x128xf32, #tpu.memory_space<vmem>>
      %dma_start3A_1037 = tpu.memref_squeeze %dma_start3A_1036 : memref<1x128x128xf32, #tpu.memory_space<vmem>> -> memref<128x128xf32, #tpu.memory_space<vmem>>
      %dma_start3A_1038 = arith.constant 0 : i32
      %dma_start3A_1039 = arith.constant 0 : i32
      %dma_start3A_1040 = tpu.memref_slice %arg7[%arg1, %dma_start3A_1033, %dma_start3A_1038, %dma_start3A_1039] : memref<16x2x128x128xf32, #tpu.memory_space<vmem_shared>> -> memref<1x1x128x128xf32, #tpu.memory_space<vmem_shared>>
      %dma_start3A_1041 = tpu.memref_squeeze %dma_start3A_1040 : memref<1x1x128x128xf32, #tpu.memory_space<vmem_shared>> -> memref<128x128xf32, #tpu.memory_space<vmem_shared>>
      %dma_start3A_1042 = arith.constant 0 : i32
      %dma_start3A_1043 = arith.constant 0 : i32
      %dma_start3A_1044 = tpu.memref_slice %arg7[%arg1, %dma_start3A_1033, %dma_start3A_1042, %dma_start3A_1043] : memref<16x2x128x128xf32, #tpu.memory_space<vmem_shared>> -> memref<1x1x128x128xf32, #tpu.memory_space<vmem_shared>>
      %dma_start3A_1045 = tpu.memref_squeeze %dma_start3A_1044 : memref<1x1x128x128xf32, #tpu.memory_space<vmem_shared>> -> memref<128x128xf32, #tpu.memory_space<vmem_shared>>
      %dma_start3A_1046 = arith.constant 0 : i32
      %dma_start3A_1047 = arith.constant 0 : i32
      %dma_start3A_1048 = tpu.memref_slice %arg6[%dma_start3A_1032, %dma_start3A_1046, %dma_start3A_1047] : memref<4x128x128xf32, #tpu.memory_space<vmem>> -> memref<1x128x128xf32, #tpu.memory_space<vmem>>
      %dma_start3A_1049 = tpu.memref_squeeze %dma_start3A_1048 : memref<1x128x128xf32, #tpu.memory_space<vmem>> -> memref<128x128xf32, #tpu.memory_space<vmem>>
      tpu.enqueue_dma source(%dma_start3A_1049 : memref<128x128xf32, #tpu.memory_space<vmem>>) target(%dma_start3A_1045 : memref<128x128xf32, #tpu.memory_space<vmem_shared>>) target_semaphore(%arg12 : memref<!tpu.dma_semaphore, #tpu.memory_space<semaphore_mem>>)
      %dma_wait3A_1050 = arith.constant 0 : i32
      %dma_wait3A_1051 = arith.constant 1 : i32
      %dma_wait3A_1052 = arith.constant 0 : i32
      %dma_wait3A_1053 = arith.constant 0 : i32
      %dma_wait3A_1054 = tpu.memref_slice %arg6[%dma_wait3A_1050, %dma_wait3A_1052, %dma_wait3A_1053] : memref<4x128x128xf32, #tpu.memory_space<vmem>> -> memref<1x128x128xf32, #tpu.memory_space<vmem>>
      %dma_wait3A_1055 = tpu.memref_squeeze %dma_wait3A_1054 : memref<1x128x128xf32, #tpu.memory_space<vmem>> -> memref<128x128xf32, #tpu.memory_space<vmem>>
      %dma_wait3A_1056 = arith.constant 0 : i32
      %dma_wait3A_1057 = arith.constant 0 : i32
      %dma_wait3A_1058 = tpu.memref_slice %arg7[%arg1, %dma_wait3A_1051, %dma_wait3A_1056, %dma_wait3A_1057] : memref<16x2x128x128xf32, #tpu.memory_space<vmem_shared>> -> memref<1x1x128x128xf32, #tpu.memory_space<vmem_shared>>
      %dma_wait3A_1059 = tpu.memref_squeeze %dma_wait3A_1058 : memref<1x1x128x128xf32, #tpu.memory_space<vmem_shared>> -> memref<128x128xf32, #tpu.memory_space<vmem_shared>>
      %dma_wait3A_1060 = arith.constant 0 : i32
      %dma_wait3A_1061 = arith.constant 0 : i32
      %dma_wait3A_1062 = tpu.memref_slice %arg7[%arg1, %dma_wait3A_1051, %dma_wait3A_1060, %dma_wait3A_1061] : memref<16x2x128x128xf32, #tpu.memory_space<vmem_shared>> -> memref<1x1x128x128xf32, #tpu.memory_space<vmem_shared>>
      %dma_wait3A_1063 = tpu.memref_squeeze %dma_wait3A_1062 : memref<1x1x128x128xf32, #tpu.memory_space<vmem_shared>> -> memref<128x128xf32, #tpu.memory_space<vmem_shared>>
      %dma_wait3A_1064 = arith.constant 0 : i32
      %dma_wait3A_1065 = arith.constant 0 : i32
      %dma_wait3A_1066 = tpu.memref_slice %arg6[%dma_wait3A_1050, %dma_wait3A_1064, %dma_wait3A_1065] : memref<4x128x128xf32, #tpu.memory_space<vmem>> -> memref<1x128x128xf32, #tpu.memory_space<vmem>>
      %dma_wait3A_1067 = tpu.memref_squeeze %dma_wait3A_1066 : memref<1x128x128xf32, #tpu.memory_space<vmem>> -> memref<128x128xf32, #tpu.memory_space<vmem>>
      tpu.wait_dma2 semaphore(%arg13 : memref<!tpu.dma_semaphore, #tpu.memory_space<semaphore_mem>>) src(%dma_wait3A_1067 : memref<128x128xf32, #tpu.memory_space<vmem>>) dst(%dma_wait3A_1063 : memref<128x128xf32, #tpu.memory_space<vmem_shared>>)
      %sub3A_1068 = arith.constant 1 : i32
      %sub3A_1069 = arith.subi %add3A_1006, %sub3A_1068 : i32
      %dma_start3A_1070 = arith.constant 1 : i32
      %dma_start3A_1071 = arith.constant 0 : i32
      %dma_start3A_1072 = tpu.memref_slice %arg4[%sub3A_1069, %mul3A_2, %dma_start3A_1071] : memref<50x4096x128xf32, #tpu.memory_space<hbm>> -> memref<1x128x128xf32, #tpu.memory_space<hbm>>
      %dma_start3A_1073 = tpu.memref_squeeze %dma_start3A_1072 : memref<1x128x128xf32, #tpu.memory_space<hbm>> -> memref<128x128xf32, #tpu.memory_space<hbm>>
      %dma_start3A_1074 = arith.constant 0 : i32
      %dma_start3A_1075 = arith.constant 0 : i32
      %dma_start3A_1076 = tpu.memref_slice %arg7[%arg1, %dma_start3A_1070, %dma_start3A_1074, %dma_start3A_1075] : memref<16x2x128x128xf32, #tpu.memory_space<vmem_shared>> -> memref<1x1x128x128xf32, #tpu.memory_space<vmem_shared>>
      %dma_start3A_1077 = tpu.memref_squeeze %dma_start3A_1076 : memref<1x1x128x128xf32, #tpu.memory_space<vmem_shared>> -> memref<128x128xf32, #tpu.memory_space<vmem_shared>>
      tpu.enqueue_dma source(%dma_start3A_1077 : memref<128x128xf32, #tpu.memory_space<vmem_shared>>) target(%dma_start3A_1073 : memref<128x128xf32, #tpu.memory_space<hbm>>) target_semaphore(%arg15 : memref<!tpu.dma_semaphore, #tpu.memory_space<semaphore_mem>>)
      %sub3A_1078 = arith.constant 1 : i32
      %sub3A_1079 = arith.subi %add3A_1006, %sub3A_1078 : i32
      %add3A_1080 = arith.constant 4 : i32
      %add3A_1081 = arith.addi %sub3A_1079, %add3A_1080 : i32
      %dma_start3A_1082 = arith.constant 1 : i32
      %dma_start3A_1083 = arith.constant 0 : i32
      %dma_start3A_1084 = arith.constant 0 : i32
      %dma_start3A_1085 = tpu.memref_slice %arg6[%dma_start3A_1082, %dma_start3A_1083, %dma_start3A_1084] : memref<4x128x128xf32, #tpu.memory_space<vmem>> -> memref<1x128x128xf32, #tpu.memory_space<vmem>>
      %dma_start3A_1086 = tpu.memref_squeeze %dma_start3A_1085 : memref<1x128x128xf32, #tpu.memory_space<vmem>> -> memref<128x128xf32, #tpu.memory_space<vmem>>
      %dma_start3A_1087 = arith.constant 0 : i32
      %dma_start3A_1088 = tpu.memref_slice %arg5[%add3A_1081, %dma_start3A_1087] : memref<50x128xi32, #tpu.memory_space<vmem>> -> memref<1x128xi32, #tpu.memory_space<vmem>>
      %dma_start3A_1089 = tpu.memref_squeeze %dma_start3A_1088 : memref<1x128xi32, #tpu.memory_space<vmem>> -> memref<128xi32, #tpu.memory_space<vmem>>
      %dma_start3A_1090 = arith.constant 0 : i32
      %dma_start3A_1091 = arith.constant 0 : i32
      %dma_start3A_1092 = tpu.memref_slice %arg3[%dma_start3A_1090, %dma_start3A_1091] : memref<100000x128xf32, #tpu.memory_space<hbm>> -> memref<100000x128xf32, #tpu.memory_space<hbm>>
      tpu.enqueue_indirect_dma source(%dma_start3A_1092 : memref<100000x128xf32, #tpu.memory_space<hbm>>) target(%dma_start3A_1086 : memref<128x128xf32, #tpu.memory_space<vmem>>) offsets(%dma_start3A_1089 : memref<128xi32, #tpu.memory_space<vmem>>) semaphore(%arg9 : memref<!tpu.dma_semaphore, #tpu.memory_space<semaphore_mem>>)
      %add3A_1093 = arith.constant 3 : i32
      %add3A_1094 = arith.addi %add3A_829, %add3A_1093 : i32
      %dma_wait3A_1095 = arith.constant 3 : i32
      %dma_wait3A_1096 = arith.constant 0 : i32
      %dma_wait3A_1097 = arith.constant 0 : i32
      %dma_wait3A_1098 = tpu.memref_slice %arg6[%dma_wait3A_1095, %dma_wait3A_1096, %dma_wait3A_1097] : memref<4x128x128xf32, #tpu.memory_space<vmem>> -> memref<1x128x128xf32, #tpu.memory_space<vmem>>
      %dma_wait3A_1099 = tpu.memref_squeeze %dma_wait3A_1098 : memref<1x128x128xf32, #tpu.memory_space<vmem>> -> memref<128x128xf32, #tpu.memory_space<vmem>>
      %dma_wait3A_1100 = arith.constant 0 : i32
      %dma_wait3A_1101 = arith.constant 0 : i32
      %dma_wait3A_1102 = tpu.memref_slice %arg3[%dma_wait3A_1100, %dma_wait3A_1101] : memref<100000x128xf32, #tpu.memory_space<hbm>> -> memref<128x128xf32, #tpu.memory_space<hbm>>
      %dma_wait3A_1103 = arith.constant 0 : i32
      %dma_wait3A_1104 = arith.constant 0 : i32
      %dma_wait3A_1105 = tpu.memref_slice %arg6[%dma_wait3A_1095, %dma_wait3A_1103, %dma_wait3A_1104] : memref<4x128x128xf32, #tpu.memory_space<vmem>> -> memref<1x128x128xf32, #tpu.memory_space<vmem>>
      %dma_wait3A_1106 = tpu.memref_squeeze %dma_wait3A_1105 : memref<1x128x128xf32, #tpu.memory_space<vmem>> -> memref<128x128xf32, #tpu.memory_space<vmem>>
      %dma_wait3A_1107 = arith.constant 0 : i32
      %dma_wait3A_1108 = arith.constant 0 : i32
      %dma_wait3A_1109 = tpu.memref_slice %arg3[%dma_wait3A_1107, %dma_wait3A_1108] : memref<100000x128xf32, #tpu.memory_space<hbm>> -> memref<128x128xf32, #tpu.memory_space<hbm>>
      tpu.wait_dma2 semaphore(%arg11 : memref<!tpu.dma_semaphore, #tpu.memory_space<semaphore_mem>>) src(%dma_wait3A_1109 : memref<128x128xf32, #tpu.memory_space<hbm>>) dst(%dma_wait3A_1106 : memref<128x128xf32, #tpu.memory_space<vmem>>)
      %dma_wait3A_1110 = arith.constant 1 : i32
      %dma_wait3A_1111 = arith.constant 0 : i32
      %dma_wait3A_1112 = arith.constant 0 : i32
      %dma_wait3A_1113 = arith.constant 0 : i32
      %dma_wait3A_1114 = tpu.memref_slice %arg4[%dma_wait3A_1111, %dma_wait3A_1112, %dma_wait3A_1113] : memref<50x4096x128xf32, #tpu.memory_space<hbm>> -> memref<1x128x128xf32, #tpu.memory_space<hbm>>
      %dma_wait3A_1115 = tpu.memref_squeeze %dma_wait3A_1114 : memref<1x128x128xf32, #tpu.memory_space<hbm>> -> memref<128x128xf32, #tpu.memory_space<hbm>>
      %dma_wait3A_1116 = arith.constant 0 : i32
      %dma_wait3A_1117 = arith.constant 0 : i32
      %dma_wait3A_1118 = tpu.memref_slice %arg7[%arg1, %dma_wait3A_1110, %dma_wait3A_1116, %dma_wait3A_1117] : memref<16x2x128x128xf32, #tpu.memory_space<vmem_shared>> -> memref<1x1x128x128xf32, #tpu.memory_space<vmem_shared>>
      %dma_wait3A_1119 = tpu.memref_squeeze %dma_wait3A_1118 : memref<1x1x128x128xf32, #tpu.memory_space<vmem_shared>> -> memref<128x128xf32, #tpu.memory_space<vmem_shared>>
      tpu.wait_dma2 semaphore(%arg15 : memref<!tpu.dma_semaphore, #tpu.memory_space<semaphore_mem>>) src(%dma_wait3A_1119 : memref<128x128xf32, #tpu.memory_space<vmem_shared>>) dst(%dma_wait3A_1115 : memref<128x128xf32, #tpu.memory_space<hbm>>)
      %dma_start3A_1120 = arith.constant 3 : i32
      %dma_start3A_1121 = arith.constant 1 : i32
      %dma_start3A_1122 = arith.constant 0 : i32
      %dma_start3A_1123 = arith.constant 0 : i32
      %dma_start3A_1124 = tpu.memref_slice %arg6[%dma_start3A_1120, %dma_start3A_1122, %dma_start3A_1123] : memref<4x128x128xf32, #tpu.memory_space<vmem>> -> memref<1x128x128xf32, #tpu.memory_space<vmem>>
      %dma_start3A_1125 = tpu.memref_squeeze %dma_start3A_1124 : memref<1x128x128xf32, #tpu.memory_space<vmem>> -> memref<128x128xf32, #tpu.memory_space<vmem>>
      %dma_start3A_1126 = arith.constant 0 : i32
      %dma_start3A_1127 = arith.constant 0 : i32
      %dma_start3A_1128 = tpu.memref_slice %arg7[%arg1, %dma_start3A_1121, %dma_start3A_1126, %dma_start3A_1127] : memref<16x2x128x128xf32, #tpu.memory_space<vmem_shared>> -> memref<1x1x128x128xf32, #tpu.memory_space<vmem_shared>>
      %dma_start3A_1129 = tpu.memref_squeeze %dma_start3A_1128 : memref<1x1x128x128xf32, #tpu.memory_space<vmem_shared>> -> memref<128x128xf32, #tpu.memory_space<vmem_shared>>
      %dma_start3A_1130 = arith.constant 0 : i32
      %dma_start3A_1131 = arith.constant 0 : i32
      %dma_start3A_1132 = tpu.memref_slice %arg7[%arg1, %dma_start3A_1121, %dma_start3A_1130, %dma_start3A_1131] : memref<16x2x128x128xf32, #tpu.memory_space<vmem_shared>> -> memref<1x1x128x128xf32, #tpu.memory_space<vmem_shared>>
      %dma_start3A_1133 = tpu.memref_squeeze %dma_start3A_1132 : memref<1x1x128x128xf32, #tpu.memory_space<vmem_shared>> -> memref<128x128xf32, #tpu.memory_space<vmem_shared>>
      %dma_start3A_1134 = arith.constant 0 : i32
      %dma_start3A_1135 = arith.constant 0 : i32
      %dma_start3A_1136 = tpu.memref_slice %arg6[%dma_start3A_1120, %dma_start3A_1134, %dma_start3A_1135] : memref<4x128x128xf32, #tpu.memory_space<vmem>> -> memref<1x128x128xf32, #tpu.memory_space<vmem>>
      %dma_start3A_1137 = tpu.memref_squeeze %dma_start3A_1136 : memref<1x128x128xf32, #tpu.memory_space<vmem>> -> memref<128x128xf32, #tpu.memory_space<vmem>>
      tpu.enqueue_dma source(%dma_start3A_1137 : memref<128x128xf32, #tpu.memory_space<vmem>>) target(%dma_start3A_1133 : memref<128x128xf32, #tpu.memory_space<vmem_shared>>) target_semaphore(%arg13 : memref<!tpu.dma_semaphore, #tpu.memory_space<semaphore_mem>>)
      %dma_wait3A_1138 = arith.constant 0 : i32
      %dma_wait3A_1139 = arith.constant 0 : i32
      %dma_wait3A_1140 = arith.constant 0 : i32
      %dma_wait3A_1141 = arith.constant 0 : i32
      %dma_wait3A_1142 = tpu.memref_slice %arg6[%dma_wait3A_1138, %dma_wait3A_1140, %dma_wait3A_1141] : memref<4x128x128xf32, #tpu.memory_space<vmem>> -> memref<1x128x128xf32, #tpu.memory_space<vmem>>
      %dma_wait3A_1143 = tpu.memref_squeeze %dma_wait3A_1142 : memref<1x128x128xf32, #tpu.memory_space<vmem>> -> memref<128x128xf32, #tpu.memory_space<vmem>>
      %dma_wait3A_1144 = arith.constant 0 : i32
      %dma_wait3A_1145 = arith.constant 0 : i32
      %dma_wait3A_1146 = tpu.memref_slice %arg7[%arg1, %dma_wait3A_1139, %dma_wait3A_1144, %dma_wait3A_1145] : memref<16x2x128x128xf32, #tpu.memory_space<vmem_shared>> -> memref<1x1x128x128xf32, #tpu.memory_space<vmem_shared>>
      %dma_wait3A_1147 = tpu.memref_squeeze %dma_wait3A_1146 : memref<1x1x128x128xf32, #tpu.memory_space<vmem_shared>> -> memref<128x128xf32, #tpu.memory_space<vmem_shared>>
      %dma_wait3A_1148 = arith.constant 0 : i32
      %dma_wait3A_1149 = arith.constant 0 : i32
      %dma_wait3A_1150 = tpu.memref_slice %arg7[%arg1, %dma_wait3A_1139, %dma_wait3A_1148, %dma_wait3A_1149] : memref<16x2x128x128xf32, #tpu.memory_space<vmem_shared>> -> memref<1x1x128x128xf32, #tpu.memory_space<vmem_shared>>
      %dma_wait3A_1151 = tpu.memref_squeeze %dma_wait3A_1150 : memref<1x1x128x128xf32, #tpu.memory_space<vmem_shared>> -> memref<128x128xf32, #tpu.memory_space<vmem_shared>>
      %dma_wait3A_1152 = arith.constant 0 : i32
      %dma_wait3A_1153 = arith.constant 0 : i32
      %dma_wait3A_1154 = tpu.memref_slice %arg6[%dma_wait3A_1138, %dma_wait3A_1152, %dma_wait3A_1153] : memref<4x128x128xf32, #tpu.memory_space<vmem>> -> memref<1x128x128xf32, #tpu.memory_space<vmem>>
      %dma_wait3A_1155 = tpu.memref_squeeze %dma_wait3A_1154 : memref<1x128x128xf32, #tpu.memory_space<vmem>> -> memref<128x128xf32, #tpu.memory_space<vmem>>
      tpu.wait_dma2 semaphore(%arg12 : memref<!tpu.dma_semaphore, #tpu.memory_space<semaphore_mem>>) src(%dma_wait3A_1155 : memref<128x128xf32, #tpu.memory_space<vmem>>) dst(%dma_wait3A_1151 : memref<128x128xf32, #tpu.memory_space<vmem_shared>>)
      %sub3A_1156 = arith.constant 1 : i32
      %sub3A_1157 = arith.subi %add3A_1094, %sub3A_1156 : i32
      %dma_start3A_1158 = arith.constant 0 : i32
      %dma_start3A_1159 = arith.constant 0 : i32
      %dma_start3A_1160 = tpu.memref_slice %arg4[%sub3A_1157, %mul3A_2, %dma_start3A_1159] : memref<50x4096x128xf32, #tpu.memory_space<hbm>> -> memref<1x128x128xf32, #tpu.memory_space<hbm>>
      %dma_start3A_1161 = tpu.memref_squeeze %dma_start3A_1160 : memref<1x128x128xf32, #tpu.memory_space<hbm>> -> memref<128x128xf32, #tpu.memory_space<hbm>>
      %dma_start3A_1162 = arith.constant 0 : i32
      %dma_start3A_1163 = arith.constant 0 : i32
      %dma_start3A_1164 = tpu.memref_slice %arg7[%arg1, %dma_start3A_1158, %dma_start3A_1162, %dma_start3A_1163] : memref<16x2x128x128xf32, #tpu.memory_space<vmem_shared>> -> memref<1x1x128x128xf32, #tpu.memory_space<vmem_shared>>
      %dma_start3A_1165 = tpu.memref_squeeze %dma_start3A_1164 : memref<1x1x128x128xf32, #tpu.memory_space<vmem_shared>> -> memref<128x128xf32, #tpu.memory_space<vmem_shared>>
      tpu.enqueue_dma source(%dma_start3A_1165 : memref<128x128xf32, #tpu.memory_space<vmem_shared>>) target(%dma_start3A_1161 : memref<128x128xf32, #tpu.memory_space<hbm>>) target_semaphore(%arg14 : memref<!tpu.dma_semaphore, #tpu.memory_space<semaphore_mem>>)
      %sub3A_1166 = arith.constant 1 : i32
      %sub3A_1167 = arith.subi %add3A_1094, %sub3A_1166 : i32
      %add3A_1168 = arith.constant 4 : i32
      %add3A_1169 = arith.addi %sub3A_1167, %add3A_1168 : i32
      %dma_start3A_1170 = arith.constant 2 : i32
      %dma_start3A_1171 = arith.constant 0 : i32
      %dma_start3A_1172 = arith.constant 0 : i32
      %dma_start3A_1173 = tpu.memref_slice %arg6[%dma_start3A_1170, %dma_start3A_1171, %dma_start3A_1172] : memref<4x128x128xf32, #tpu.memory_space<vmem>> -> memref<1x128x128xf32, #tpu.memory_space<vmem>>
      %dma_start3A_1174 = tpu.memref_squeeze %dma_start3A_1173 : memref<1x128x128xf32, #tpu.memory_space<vmem>> -> memref<128x128xf32, #tpu.memory_space<vmem>>
      %dma_start3A_1175 = arith.constant 0 : i32
      %dma_start3A_1176 = tpu.memref_slice %arg5[%add3A_1169, %dma_start3A_1175] : memref<50x128xi32, #tpu.memory_space<vmem>> -> memref<1x128xi32, #tpu.memory_space<vmem>>
      %dma_start3A_1177 = tpu.memref_squeeze %dma_start3A_1176 : memref<1x128xi32, #tpu.memory_space<vmem>> -> memref<128xi32, #tpu.memory_space<vmem>>
      %dma_start3A_1178 = arith.constant 0 : i32
      %dma_start3A_1179 = arith.constant 0 : i32
      %dma_start3A_1180 = tpu.memref_slice %arg3[%dma_start3A_1178, %dma_start3A_1179] : memref<100000x128xf32, #tpu.memory_space<hbm>> -> memref<100000x128xf32, #tpu.memory_space<hbm>>
      tpu.enqueue_indirect_dma source(%dma_start3A_1180 : memref<100000x128xf32, #tpu.memory_space<hbm>>) target(%dma_start3A_1174 : memref<128x128xf32, #tpu.memory_space<vmem>>) offsets(%dma_start3A_1177 : memref<128xi32, #tpu.memory_space<vmem>>) semaphore(%arg10 : memref<!tpu.dma_semaphore, #tpu.memory_space<semaphore_mem>>)
    }
    %scan3A_321 = arith.constant 10 : i32
    %dma_wait3A_322 = arith.constant 0 : i32
    %dma_wait3A_323 = arith.constant 0 : i32
    %dma_wait3A_324 = arith.constant 0 : i32
    %dma_wait3A_325 = tpu.memref_slice %arg6[%dma_wait3A_322, %dma_wait3A_323, %dma_wait3A_324] : memref<4x128x128xf32, #tpu.memory_space<vmem>> -> memref<1x128x128xf32, #tpu.memory_space<vmem>>
    %dma_wait3A_326 = tpu.memref_squeeze %dma_wait3A_325 : memref<1x128x128xf32, #tpu.memory_space<vmem>> -> memref<128x128xf32, #tpu.memory_space<vmem>>
    %dma_wait3A_327 = arith.constant 0 : i32
    %dma_wait3A_328 = arith.constant 0 : i32
    %dma_wait3A_329 = tpu.memref_slice %arg3[%dma_wait3A_327, %dma_wait3A_328] : memref<100000x128xf32, #tpu.memory_space<hbm>> -> memref<128x128xf32, #tpu.memory_space<hbm>>
    %dma_wait3A_330 = arith.constant 0 : i32
    %dma_wait3A_331 = arith.constant 0 : i32
    %dma_wait3A_332 = tpu.memref_slice %arg6[%dma_wait3A_322, %dma_wait3A_330, %dma_wait3A_331] : memref<4x128x128xf32, #tpu.memory_space<vmem>> -> memref<1x128x128xf32, #tpu.memory_space<vmem>>
    %dma_wait3A_333 = tpu.memref_squeeze %dma_wait3A_332 : memref<1x128x128xf32, #tpu.memory_space<vmem>> -> memref<128x128xf32, #tpu.memory_space<vmem>>
    %dma_wait3A_334 = arith.constant 0 : i32
    %dma_wait3A_335 = arith.constant 0 : i32
    %dma_wait3A_336 = tpu.memref_slice %arg3[%dma_wait3A_334, %dma_wait3A_335] : memref<100000x128xf32, #tpu.memory_space<hbm>> -> memref<128x128xf32, #tpu.memory_space<hbm>>
    tpu.wait_dma2 semaphore(%arg8 : memref<!tpu.dma_semaphore, #tpu.memory_space<semaphore_mem>>) src(%dma_wait3A_336 : memref<128x128xf32, #tpu.memory_space<hbm>>) dst(%dma_wait3A_333 : memref<128x128xf32, #tpu.memory_space<vmem>>)
    %dma_wait3A_337 = arith.constant 0 : i32
    %dma_wait3A_338 = arith.constant 0 : i32
    %dma_wait3A_339 = arith.constant 0 : i32
    %dma_wait3A_340 = arith.constant 0 : i32
    %dma_wait3A_341 = tpu.memref_slice %arg4[%dma_wait3A_338, %dma_wait3A_339, %dma_wait3A_340] : memref<50x4096x128xf32, #tpu.memory_space<hbm>> -> memref<1x128x128xf32, #tpu.memory_space<hbm>>
    %dma_wait3A_342 = tpu.memref_squeeze %dma_wait3A_341 : memref<1x128x128xf32, #tpu.memory_space<hbm>> -> memref<128x128xf32, #tpu.memory_space<hbm>>
    %dma_wait3A_343 = arith.constant 0 : i32
    %dma_wait3A_344 = arith.constant 0 : i32
    %dma_wait3A_345 = tpu.memref_slice %arg7[%arg1, %dma_wait3A_337, %dma_wait3A_343, %dma_wait3A_344] : memref<16x2x128x128xf32, #tpu.memory_space<vmem_shared>> -> memref<1x1x128x128xf32, #tpu.memory_space<vmem_shared>>
    %dma_wait3A_346 = tpu.memref_squeeze %dma_wait3A_345 : memref<1x1x128x128xf32, #tpu.memory_space<vmem_shared>> -> memref<128x128xf32, #tpu.memory_space<vmem_shared>>
    tpu.wait_dma2 semaphore(%arg14 : memref<!tpu.dma_semaphore, #tpu.memory_space<semaphore_mem>>) src(%dma_wait3A_346 : memref<128x128xf32, #tpu.memory_space<vmem_shared>>) dst(%dma_wait3A_342 : memref<128x128xf32, #tpu.memory_space<hbm>>)
    %dma_start3A_347 = arith.constant 0 : i32
    %dma_start3A_348 = arith.constant 0 : i32
    %dma_start3A_349 = arith.constant 0 : i32
    %dma_start3A_350 = arith.constant 0 : i32
    %dma_start3A_351 = tpu.memref_slice %arg6[%dma_start3A_347, %dma_start3A_349, %dma_start3A_350] : memref<4x128x128xf32, #tpu.memory_space<vmem>> -> memref<1x128x128xf32, #tpu.memory_space<vmem>>
    %dma_start3A_352 = tpu.memref_squeeze %dma_start3A_351 : memref<1x128x128xf32, #tpu.memory_space<vmem>> -> memref<128x128xf32, #tpu.memory_space<vmem>>
    %dma_start3A_353 = arith.constant 0 : i32
    %dma_start3A_354 = arith.constant 0 : i32
    %dma_start3A_355 = tpu.memref_slice %arg7[%arg1, %dma_start3A_348, %dma_start3A_353, %dma_start3A_354] : memref<16x2x128x128xf32, #tpu.memory_space<vmem_shared>> -> memref<1x1x128x128xf32, #tpu.memory_space<vmem_shared>>
    %dma_start3A_356 = tpu.memref_squeeze %dma_start3A_355 : memref<1x1x128x128xf32, #tpu.memory_space<vmem_shared>> -> memref<128x128xf32, #tpu.memory_space<vmem_shared>>
    %dma_start3A_357 = arith.constant 0 : i32
    %dma_start3A_358 = arith.constant 0 : i32
    %dma_start3A_359 = tpu.memref_slice %arg7[%arg1, %dma_start3A_348, %dma_start3A_357, %dma_start3A_358] : memref<16x2x128x128xf32, #tpu.memory_space<vmem_shared>> -> memref<1x1x128x128xf32, #tpu.memory_space<vmem_shared>>
    %dma_start3A_360 = tpu.memref_squeeze %dma_start3A_359 : memref<1x1x128x128xf32, #tpu.memory_space<vmem_shared>> -> memref<128x128xf32, #tpu.memory_space<vmem_shared>>
    %dma_start3A_361 = arith.constant 0 : i32
    %dma_start3A_362 = arith.constant 0 : i32
    %dma_start3A_363 = tpu.memref_slice %arg6[%dma_start3A_347, %dma_start3A_361, %dma_start3A_362] : memref<4x128x128xf32, #tpu.memory_space<vmem>> -> memref<1x128x128xf32, #tpu.memory_space<vmem>>
    %dma_start3A_364 = tpu.memref_squeeze %dma_start3A_363 : memref<1x128x128xf32, #tpu.memory_space<vmem>> -> memref<128x128xf32, #tpu.memory_space<vmem>>
    tpu.enqueue_dma source(%dma_start3A_364 : memref<128x128xf32, #tpu.memory_space<vmem>>) target(%dma_start3A_360 : memref<128x128xf32, #tpu.memory_space<vmem_shared>>) target_semaphore(%arg12 : memref<!tpu.dma_semaphore, #tpu.memory_space<semaphore_mem>>)
    %dma_wait3A_365 = arith.constant 0 : i32
    %dma_wait3A_366 = arith.constant 1 : i32
    %dma_wait3A_367 = arith.constant 0 : i32
    %dma_wait3A_368 = arith.constant 0 : i32
    %dma_wait3A_369 = tpu.memref_slice %arg6[%dma_wait3A_365, %dma_wait3A_367, %dma_wait3A_368] : memref<4x128x128xf32, #tpu.memory_space<vmem>> -> memref<1x128x128xf32, #tpu.memory_space<vmem>>
    %dma_wait3A_370 = tpu.memref_squeeze %dma_wait3A_369 : memref<1x128x128xf32, #tpu.memory_space<vmem>> -> memref<128x128xf32, #tpu.memory_space<vmem>>
    %dma_wait3A_371 = arith.constant 0 : i32
    %dma_wait3A_372 = arith.constant 0 : i32
    %dma_wait3A_373 = tpu.memref_slice %arg7[%arg1, %dma_wait3A_366, %dma_wait3A_371, %dma_wait3A_372] : memref<16x2x128x128xf32, #tpu.memory_space<vmem_shared>> -> memref<1x1x128x128xf32, #tpu.memory_space<vmem_shared>>
    %dma_wait3A_374 = tpu.memref_squeeze %dma_wait3A_373 : memref<1x1x128x128xf32, #tpu.memory_space<vmem_shared>> -> memref<128x128xf32, #tpu.memory_space<vmem_shared>>
    %dma_wait3A_375 = arith.constant 0 : i32
    %dma_wait3A_376 = arith.constant 0 : i32
    %dma_wait3A_377 = tpu.memref_slice %arg7[%arg1, %dma_wait3A_366, %dma_wait3A_375, %dma_wait3A_376] : memref<16x2x128x128xf32, #tpu.memory_space<vmem_shared>> -> memref<1x1x128x128xf32, #tpu.memory_space<vmem_shared>>
    %dma_wait3A_378 = tpu.memref_squeeze %dma_wait3A_377 : memref<1x1x128x128xf32, #tpu.memory_space<vmem_shared>> -> memref<128x128xf32, #tpu.memory_space<vmem_shared>>
    %dma_wait3A_379 = arith.constant 0 : i32
    %dma_wait3A_380 = arith.constant 0 : i32
    %dma_wait3A_381 = tpu.memref_slice %arg6[%dma_wait3A_365, %dma_wait3A_379, %dma_wait3A_380] : memref<4x128x128xf32, #tpu.memory_space<vmem>> -> memref<1x128x128xf32, #tpu.memory_space<vmem>>
    %dma_wait3A_382 = tpu.memref_squeeze %dma_wait3A_381 : memref<1x128x128xf32, #tpu.memory_space<vmem>> -> memref<128x128xf32, #tpu.memory_space<vmem>>
    tpu.wait_dma2 semaphore(%arg13 : memref<!tpu.dma_semaphore, #tpu.memory_space<semaphore_mem>>) src(%dma_wait3A_382 : memref<128x128xf32, #tpu.memory_space<vmem>>) dst(%dma_wait3A_378 : memref<128x128xf32, #tpu.memory_space<vmem_shared>>)
    %dma_start3A_383 = arith.constant 1 : i32
    %dma_start3A_384 = arith.constant 43 : i32
    %dma_start3A_385 = arith.constant 0 : i32
    %dma_start3A_386 = tpu.memref_slice %arg4[%dma_start3A_384, %mul3A_2, %dma_start3A_385] : memref<50x4096x128xf32, #tpu.memory_space<hbm>> -> memref<1x128x128xf32, #tpu.memory_space<hbm>>
    %dma_start3A_387 = tpu.memref_squeeze %dma_start3A_386 : memref<1x128x128xf32, #tpu.memory_space<hbm>> -> memref<128x128xf32, #tpu.memory_space<hbm>>
    %dma_start3A_388 = arith.constant 0 : i32
    %dma_start3A_389 = arith.constant 0 : i32
    %dma_start3A_390 = tpu.memref_slice %arg7[%arg1, %dma_start3A_383, %dma_start3A_388, %dma_start3A_389] : memref<16x2x128x128xf32, #tpu.memory_space<vmem_shared>> -> memref<1x1x128x128xf32, #tpu.memory_space<vmem_shared>>
    %dma_start3A_391 = tpu.memref_squeeze %dma_start3A_390 : memref<1x1x128x128xf32, #tpu.memory_space<vmem_shared>> -> memref<128x128xf32, #tpu.memory_space<vmem_shared>>
    tpu.enqueue_dma source(%dma_start3A_391 : memref<128x128xf32, #tpu.memory_space<vmem_shared>>) target(%dma_start3A_387 : memref<128x128xf32, #tpu.memory_space<hbm>>) target_semaphore(%arg15 : memref<!tpu.dma_semaphore, #tpu.memory_space<semaphore_mem>>)
    %dma_start3A_392 = arith.constant 47 : i32
    %dma_start3A_393 = arith.constant 3 : i32
    %dma_start3A_394 = arith.constant 0 : i32
    %dma_start3A_395 = arith.constant 0 : i32
    %dma_start3A_396 = tpu.memref_slice %arg6[%dma_start3A_393, %dma_start3A_394, %dma_start3A_395] : memref<4x128x128xf32, #tpu.memory_space<vmem>> -> memref<1x128x128xf32, #tpu.memory_space<vmem>>
    %dma_start3A_397 = tpu.memref_squeeze %dma_start3A_396 : memref<1x128x128xf32, #tpu.memory_space<vmem>> -> memref<128x128xf32, #tpu.memory_space<vmem>>
    %dma_start3A_398 = arith.constant 0 : i32
    %dma_start3A_399 = tpu.memref_slice %arg5[%dma_start3A_392, %dma_start3A_398] : memref<50x128xi32, #tpu.memory_space<vmem>> -> memref<1x128xi32, #tpu.memory_space<vmem>>
    %dma_start3A_400 = tpu.memref_squeeze %dma_start3A_399 : memref<1x128xi32, #tpu.memory_space<vmem>> -> memref<128xi32, #tpu.memory_space<vmem>>
    %dma_start3A_401 = arith.constant 0 : i32
    %dma_start3A_402 = arith.constant 0 : i32
    %dma_start3A_403 = tpu.memref_slice %arg3[%dma_start3A_401, %dma_start3A_402] : memref<100000x128xf32, #tpu.memory_space<hbm>> -> memref<100000x128xf32, #tpu.memory_space<hbm>>
    tpu.enqueue_indirect_dma source(%dma_start3A_403 : memref<100000x128xf32, #tpu.memory_space<hbm>>) target(%dma_start3A_397 : memref<128x128xf32, #tpu.memory_space<vmem>>) offsets(%dma_start3A_400 : memref<128xi32, #tpu.memory_space<vmem>>) semaphore(%arg11 : memref<!tpu.dma_semaphore, #tpu.memory_space<semaphore_mem>>)
    %dma_wait3A_404 = arith.constant 1 : i32
    %dma_wait3A_405 = arith.constant 0 : i32
    %dma_wait3A_406 = arith.constant 0 : i32
    %dma_wait3A_407 = tpu.memref_slice %arg6[%dma_wait3A_404, %dma_wait3A_405, %dma_wait3A_406] : memref<4x128x128xf32, #tpu.memory_space<vmem>> -> memref<1x128x128xf32, #tpu.memory_space<vmem>>
    %dma_wait3A_408 = tpu.memref_squeeze %dma_wait3A_407 : memref<1x128x128xf32, #tpu.memory_space<vmem>> -> memref<128x128xf32, #tpu.memory_space<vmem>>
    %dma_wait3A_409 = arith.constant 0 : i32
    %dma_wait3A_410 = arith.constant 0 : i32
    %dma_wait3A_411 = tpu.memref_slice %arg3[%dma_wait3A_409, %dma_wait3A_410] : memref<100000x128xf32, #tpu.memory_space<hbm>> -> memref<128x128xf32, #tpu.memory_space<hbm>>
    %dma_wait3A_412 = arith.constant 0 : i32
    %dma_wait3A_413 = arith.constant 0 : i32
    %dma_wait3A_414 = tpu.memref_slice %arg6[%dma_wait3A_404, %dma_wait3A_412, %dma_wait3A_413] : memref<4x128x128xf32, #tpu.memory_space<vmem>> -> memref<1x128x128xf32, #tpu.memory_space<vmem>>
    %dma_wait3A_415 = tpu.memref_squeeze %dma_wait3A_414 : memref<1x128x128xf32, #tpu.memory_space<vmem>> -> memref<128x128xf32, #tpu.memory_space<vmem>>
    %dma_wait3A_416 = arith.constant 0 : i32
    %dma_wait3A_417 = arith.constant 0 : i32
    %dma_wait3A_418 = tpu.memref_slice %arg3[%dma_wait3A_416, %dma_wait3A_417] : memref<100000x128xf32, #tpu.memory_space<hbm>> -> memref<128x128xf32, #tpu.memory_space<hbm>>
    tpu.wait_dma2 semaphore(%arg9 : memref<!tpu.dma_semaphore, #tpu.memory_space<semaphore_mem>>) src(%dma_wait3A_418 : memref<128x128xf32, #tpu.memory_space<hbm>>) dst(%dma_wait3A_415 : memref<128x128xf32, #tpu.memory_space<vmem>>)
    %dma_wait3A_419 = arith.constant 1 : i32
    %dma_wait3A_420 = arith.constant 0 : i32
    %dma_wait3A_421 = arith.constant 0 : i32
    %dma_wait3A_422 = arith.constant 0 : i32
    %dma_wait3A_423 = tpu.memref_slice %arg4[%dma_wait3A_420, %dma_wait3A_421, %dma_wait3A_422] : memref<50x4096x128xf32, #tpu.memory_space<hbm>> -> memref<1x128x128xf32, #tpu.memory_space<hbm>>
    %dma_wait3A_424 = tpu.memref_squeeze %dma_wait3A_423 : memref<1x128x128xf32, #tpu.memory_space<hbm>> -> memref<128x128xf32, #tpu.memory_space<hbm>>
    %dma_wait3A_425 = arith.constant 0 : i32
    %dma_wait3A_426 = arith.constant 0 : i32
    %dma_wait3A_427 = tpu.memref_slice %arg7[%arg1, %dma_wait3A_419, %dma_wait3A_425, %dma_wait3A_426] : memref<16x2x128x128xf32, #tpu.memory_space<vmem_shared>> -> memref<1x1x128x128xf32, #tpu.memory_space<vmem_shared>>
    %dma_wait3A_428 = tpu.memref_squeeze %dma_wait3A_427 : memref<1x1x128x128xf32, #tpu.memory_space<vmem_shared>> -> memref<128x128xf32, #tpu.memory_space<vmem_shared>>
    tpu.wait_dma2 semaphore(%arg15 : memref<!tpu.dma_semaphore, #tpu.memory_space<semaphore_mem>>) src(%dma_wait3A_428 : memref<128x128xf32, #tpu.memory_space<vmem_shared>>) dst(%dma_wait3A_424 : memref<128x128xf32, #tpu.memory_space<hbm>>)
    %dma_start3A_429 = arith.constant 1 : i32
    %dma_start3A_430 = arith.constant 1 : i32
    %dma_start3A_431 = arith.constant 0 : i32
    %dma_start3A_432 = arith.constant 0 : i32
    %dma_start3A_433 = tpu.memref_slice %arg6[%dma_start3A_429, %dma_start3A_431, %dma_start3A_432] : memref<4x128x128xf32, #tpu.memory_space<vmem>> -> memref<1x128x128xf32, #tpu.memory_space<vmem>>
    %dma_start3A_434 = tpu.memref_squeeze %dma_start3A_433 : memref<1x128x128xf32, #tpu.memory_space<vmem>> -> memref<128x128xf32, #tpu.memory_space<vmem>>
    %dma_start3A_435 = arith.constant 0 : i32
    %dma_start3A_436 = arith.constant 0 : i32
    %dma_start3A_437 = tpu.memref_slice %arg7[%arg1, %dma_start3A_430, %dma_start3A_435, %dma_start3A_436] : memref<16x2x128x128xf32, #tpu.memory_space<vmem_shared>> -> memref<1x1x128x128xf32, #tpu.memory_space<vmem_shared>>
    %dma_start3A_438 = tpu.memref_squeeze %dma_start3A_437 : memref<1x1x128x128xf32, #tpu.memory_space<vmem_shared>> -> memref<128x128xf32, #tpu.memory_space<vmem_shared>>
    %dma_start3A_439 = arith.constant 0 : i32
    %dma_start3A_440 = arith.constant 0 : i32
    %dma_start3A_441 = tpu.memref_slice %arg7[%arg1, %dma_start3A_430, %dma_start3A_439, %dma_start3A_440] : memref<16x2x128x128xf32, #tpu.memory_space<vmem_shared>> -> memref<1x1x128x128xf32, #tpu.memory_space<vmem_shared>>
    %dma_start3A_442 = tpu.memref_squeeze %dma_start3A_441 : memref<1x1x128x128xf32, #tpu.memory_space<vmem_shared>> -> memref<128x128xf32, #tpu.memory_space<vmem_shared>>
    %dma_start3A_443 = arith.constant 0 : i32
    %dma_start3A_444 = arith.constant 0 : i32
    %dma_start3A_445 = tpu.memref_slice %arg6[%dma_start3A_429, %dma_start3A_443, %dma_start3A_444] : memref<4x128x128xf32, #tpu.memory_space<vmem>> -> memref<1x128x128xf32, #tpu.memory_space<vmem>>
    %dma_start3A_446 = tpu.memref_squeeze %dma_start3A_445 : memref<1x128x128xf32, #tpu.memory_space<vmem>> -> memref<128x128xf32, #tpu.memory_space<vmem>>
    tpu.enqueue_dma source(%dma_start3A_446 : memref<128x128xf32, #tpu.memory_space<vmem>>) target(%dma_start3A_442 : memref<128x128xf32, #tpu.memory_space<vmem_shared>>) target_semaphore(%arg13 : memref<!tpu.dma_semaphore, #tpu.memory_space<semaphore_mem>>)
    %dma_wait3A_447 = arith.constant 0 : i32
    %dma_wait3A_448 = arith.constant 0 : i32
    %dma_wait3A_449 = arith.constant 0 : i32
    %dma_wait3A_450 = arith.constant 0 : i32
    %dma_wait3A_451 = tpu.memref_slice %arg6[%dma_wait3A_447, %dma_wait3A_449, %dma_wait3A_450] : memref<4x128x128xf32, #tpu.memory_space<vmem>> -> memref<1x128x128xf32, #tpu.memory_space<vmem>>
    %dma_wait3A_452 = tpu.memref_squeeze %dma_wait3A_451 : memref<1x128x128xf32, #tpu.memory_space<vmem>> -> memref<128x128xf32, #tpu.memory_space<vmem>>
    %dma_wait3A_453 = arith.constant 0 : i32
    %dma_wait3A_454 = arith.constant 0 : i32
    %dma_wait3A_455 = tpu.memref_slice %arg7[%arg1, %dma_wait3A_448, %dma_wait3A_453, %dma_wait3A_454] : memref<16x2x128x128xf32, #tpu.memory_space<vmem_shared>> -> memref<1x1x128x128xf32, #tpu.memory_space<vmem_shared>>
    %dma_wait3A_456 = tpu.memref_squeeze %dma_wait3A_455 : memref<1x1x128x128xf32, #tpu.memory_space<vmem_shared>> -> memref<128x128xf32, #tpu.memory_space<vmem_shared>>
    %dma_wait3A_457 = arith.constant 0 : i32
    %dma_wait3A_458 = arith.constant 0 : i32
    %dma_wait3A_459 = tpu.memref_slice %arg7[%arg1, %dma_wait3A_448, %dma_wait3A_457, %dma_wait3A_458] : memref<16x2x128x128xf32, #tpu.memory_space<vmem_shared>> -> memref<1x1x128x128xf32, #tpu.memory_space<vmem_shared>>
    %dma_wait3A_460 = tpu.memref_squeeze %dma_wait3A_459 : memref<1x1x128x128xf32, #tpu.memory_space<vmem_shared>> -> memref<128x128xf32, #tpu.memory_space<vmem_shared>>
    %dma_wait3A_461 = arith.constant 0 : i32
    %dma_wait3A_462 = arith.constant 0 : i32
    %dma_wait3A_463 = tpu.memref_slice %arg6[%dma_wait3A_447, %dma_wait3A_461, %dma_wait3A_462] : memref<4x128x128xf32, #tpu.memory_space<vmem>> -> memref<1x128x128xf32, #tpu.memory_space<vmem>>
    %dma_wait3A_464 = tpu.memref_squeeze %dma_wait3A_463 : memref<1x128x128xf32, #tpu.memory_space<vmem>> -> memref<128x128xf32, #tpu.memory_space<vmem>>
    tpu.wait_dma2 semaphore(%arg12 : memref<!tpu.dma_semaphore, #tpu.memory_space<semaphore_mem>>) src(%dma_wait3A_464 : memref<128x128xf32, #tpu.memory_space<vmem>>) dst(%dma_wait3A_460 : memref<128x128xf32, #tpu.memory_space<vmem_shared>>)
    %dma_start3A_465 = arith.constant 0 : i32
    %dma_start3A_466 = arith.constant 44 : i32
    %dma_start3A_467 = arith.constant 0 : i32
    %dma_start3A_468 = tpu.memref_slice %arg4[%dma_start3A_466, %mul3A_2, %dma_start3A_467] : memref<50x4096x128xf32, #tpu.memory_space<hbm>> -> memref<1x128x128xf32, #tpu.memory_space<hbm>>
    %dma_start3A_469 = tpu.memref_squeeze %dma_start3A_468 : memref<1x128x128xf32, #tpu.memory_space<hbm>> -> memref<128x128xf32, #tpu.memory_space<hbm>>
    %dma_start3A_470 = arith.constant 0 : i32
    %dma_start3A_471 = arith.constant 0 : i32
    %dma_start3A_472 = tpu.memref_slice %arg7[%arg1, %dma_start3A_465, %dma_start3A_470, %dma_start3A_471] : memref<16x2x128x128xf32, #tpu.memory_space<vmem_shared>> -> memref<1x1x128x128xf32, #tpu.memory_space<vmem_shared>>
    %dma_start3A_473 = tpu.memref_squeeze %dma_start3A_472 : memref<1x1x128x128xf32, #tpu.memory_space<vmem_shared>> -> memref<128x128xf32, #tpu.memory_space<vmem_shared>>
    tpu.enqueue_dma source(%dma_start3A_473 : memref<128x128xf32, #tpu.memory_space<vmem_shared>>) target(%dma_start3A_469 : memref<128x128xf32, #tpu.memory_space<hbm>>) target_semaphore(%arg14 : memref<!tpu.dma_semaphore, #tpu.memory_space<semaphore_mem>>)
    %dma_start3A_474 = arith.constant 48 : i32
    %dma_start3A_475 = arith.constant 0 : i32
    %dma_start3A_476 = arith.constant 0 : i32
    %dma_start3A_477 = arith.constant 0 : i32
    %dma_start3A_478 = tpu.memref_slice %arg6[%dma_start3A_475, %dma_start3A_476, %dma_start3A_477] : memref<4x128x128xf32, #tpu.memory_space<vmem>> -> memref<1x128x128xf32, #tpu.memory_space<vmem>>
    %dma_start3A_479 = tpu.memref_squeeze %dma_start3A_478 : memref<1x128x128xf32, #tpu.memory_space<vmem>> -> memref<128x128xf32, #tpu.memory_space<vmem>>
    %dma_start3A_480 = arith.constant 0 : i32
    %dma_start3A_481 = tpu.memref_slice %arg5[%dma_start3A_474, %dma_start3A_480] : memref<50x128xi32, #tpu.memory_space<vmem>> -> memref<1x128xi32, #tpu.memory_space<vmem>>
    %dma_start3A_482 = tpu.memref_squeeze %dma_start3A_481 : memref<1x128xi32, #tpu.memory_space<vmem>> -> memref<128xi32, #tpu.memory_space<vmem>>
    %dma_start3A_483 = arith.constant 0 : i32
    %dma_start3A_484 = arith.constant 0 : i32
    %dma_start3A_485 = tpu.memref_slice %arg3[%dma_start3A_483, %dma_start3A_484] : memref<100000x128xf32, #tpu.memory_space<hbm>> -> memref<100000x128xf32, #tpu.memory_space<hbm>>
    tpu.enqueue_indirect_dma source(%dma_start3A_485 : memref<100000x128xf32, #tpu.memory_space<hbm>>) target(%dma_start3A_479 : memref<128x128xf32, #tpu.memory_space<vmem>>) offsets(%dma_start3A_482 : memref<128xi32, #tpu.memory_space<vmem>>) semaphore(%arg8 : memref<!tpu.dma_semaphore, #tpu.memory_space<semaphore_mem>>)
    %dma_wait3A_486 = arith.constant 2 : i32
    %dma_wait3A_487 = arith.constant 0 : i32
    %dma_wait3A_488 = arith.constant 0 : i32
    %dma_wait3A_489 = tpu.memref_slice %arg6[%dma_wait3A_486, %dma_wait3A_487, %dma_wait3A_488] : memref<4x128x128xf32, #tpu.memory_space<vmem>> -> memref<1x128x128xf32, #tpu.memory_space<vmem>>
    %dma_wait3A_490 = tpu.memref_squeeze %dma_wait3A_489 : memref<1x128x128xf32, #tpu.memory_space<vmem>> -> memref<128x128xf32, #tpu.memory_space<vmem>>
    %dma_wait3A_491 = arith.constant 0 : i32
    %dma_wait3A_492 = arith.constant 0 : i32
    %dma_wait3A_493 = tpu.memref_slice %arg3[%dma_wait3A_491, %dma_wait3A_492] : memref<100000x128xf32, #tpu.memory_space<hbm>> -> memref<128x128xf32, #tpu.memory_space<hbm>>
    %dma_wait3A_494 = arith.constant 0 : i32
    %dma_wait3A_495 = arith.constant 0 : i32
    %dma_wait3A_496 = tpu.memref_slice %arg6[%dma_wait3A_486, %dma_wait3A_494, %dma_wait3A_495] : memref<4x128x128xf32, #tpu.memory_space<vmem>> -> memref<1x128x128xf32, #tpu.memory_space<vmem>>
    %dma_wait3A_497 = tpu.memref_squeeze %dma_wait3A_496 : memref<1x128x128xf32, #tpu.memory_space<vmem>> -> memref<128x128xf32, #tpu.memory_space<vmem>>
    %dma_wait3A_498 = arith.constant 0 : i32
    %dma_wait3A_499 = arith.constant 0 : i32
    %dma_wait3A_500 = tpu.memref_slice %arg3[%dma_wait3A_498, %dma_wait3A_499] : memref<100000x128xf32, #tpu.memory_space<hbm>> -> memref<128x128xf32, #tpu.memory_space<hbm>>
    tpu.wait_dma2 semaphore(%arg10 : memref<!tpu.dma_semaphore, #tpu.memory_space<semaphore_mem>>) src(%dma_wait3A_500 : memref<128x128xf32, #tpu.memory_space<hbm>>) dst(%dma_wait3A_497 : memref<128x128xf32, #tpu.memory_space<vmem>>)
    %dma_wait3A_501 = arith.constant 0 : i32
    %dma_wait3A_502 = arith.constant 0 : i32
    %dma_wait3A_503 = arith.constant 0 : i32
    %dma_wait3A_504 = arith.constant 0 : i32
    %dma_wait3A_505 = tpu.memref_slice %arg4[%dma_wait3A_502, %dma_wait3A_503, %dma_wait3A_504] : memref<50x4096x128xf32, #tpu.memory_space<hbm>> -> memref<1x128x128xf32, #tpu.memory_space<hbm>>
    %dma_wait3A_506 = tpu.memref_squeeze %dma_wait3A_505 : memref<1x128x128xf32, #tpu.memory_space<hbm>> -> memref<128x128xf32, #tpu.memory_space<hbm>>
    %dma_wait3A_507 = arith.constant 0 : i32
    %dma_wait3A_508 = arith.constant 0 : i32
    %dma_wait3A_509 = tpu.memref_slice %arg7[%arg1, %dma_wait3A_501, %dma_wait3A_507, %dma_wait3A_508] : memref<16x2x128x128xf32, #tpu.memory_space<vmem_shared>> -> memref<1x1x128x128xf32, #tpu.memory_space<vmem_shared>>
    %dma_wait3A_510 = tpu.memref_squeeze %dma_wait3A_509 : memref<1x1x128x128xf32, #tpu.memory_space<vmem_shared>> -> memref<128x128xf32, #tpu.memory_space<vmem_shared>>
    tpu.wait_dma2 semaphore(%arg14 : memref<!tpu.dma_semaphore, #tpu.memory_space<semaphore_mem>>) src(%dma_wait3A_510 : memref<128x128xf32, #tpu.memory_space<vmem_shared>>) dst(%dma_wait3A_506 : memref<128x128xf32, #tpu.memory_space<hbm>>)
    %dma_start3A_511 = arith.constant 2 : i32
    %dma_start3A_512 = arith.constant 0 : i32
    %dma_start3A_513 = arith.constant 0 : i32
    %dma_start3A_514 = arith.constant 0 : i32
    %dma_start3A_515 = tpu.memref_slice %arg6[%dma_start3A_511, %dma_start3A_513, %dma_start3A_514] : memref<4x128x128xf32, #tpu.memory_space<vmem>> -> memref<1x128x128xf32, #tpu.memory_space<vmem>>
    %dma_start3A_516 = tpu.memref_squeeze %dma_start3A_515 : memref<1x128x128xf32, #tpu.memory_space<vmem>> -> memref<128x128xf32, #tpu.memory_space<vmem>>
    %dma_start3A_517 = arith.constant 0 : i32
    %dma_start3A_518 = arith.constant 0 : i32
    %dma_start3A_519 = tpu.memref_slice %arg7[%arg1, %dma_start3A_512, %dma_start3A_517, %dma_start3A_518] : memref<16x2x128x128xf32, #tpu.memory_space<vmem_shared>> -> memref<1x1x128x128xf32, #tpu.memory_space<vmem_shared>>
    %dma_start3A_520 = tpu.memref_squeeze %dma_start3A_519 : memref<1x1x128x128xf32, #tpu.memory_space<vmem_shared>> -> memref<128x128xf32, #tpu.memory_space<vmem_shared>>
    %dma_start3A_521 = arith.constant 0 : i32
    %dma_start3A_522 = arith.constant 0 : i32
    %dma_start3A_523 = tpu.memref_slice %arg7[%arg1, %dma_start3A_512, %dma_start3A_521, %dma_start3A_522] : memref<16x2x128x128xf32, #tpu.memory_space<vmem_shared>> -> memref<1x1x128x128xf32, #tpu.memory_space<vmem_shared>>
    %dma_start3A_524 = tpu.memref_squeeze %dma_start3A_523 : memref<1x1x128x128xf32, #tpu.memory_space<vmem_shared>> -> memref<128x128xf32, #tpu.memory_space<vmem_shared>>
    %dma_start3A_525 = arith.constant 0 : i32
    %dma_start3A_526 = arith.constant 0 : i32
    %dma_start3A_527 = tpu.memref_slice %arg6[%dma_start3A_511, %dma_start3A_525, %dma_start3A_526] : memref<4x128x128xf32, #tpu.memory_space<vmem>> -> memref<1x128x128xf32, #tpu.memory_space<vmem>>
    %dma_start3A_528 = tpu.memref_squeeze %dma_start3A_527 : memref<1x128x128xf32, #tpu.memory_space<vmem>> -> memref<128x128xf32, #tpu.memory_space<vmem>>
    tpu.enqueue_dma source(%dma_start3A_528 : memref<128x128xf32, #tpu.memory_space<vmem>>) target(%dma_start3A_524 : memref<128x128xf32, #tpu.memory_space<vmem_shared>>) target_semaphore(%arg12 : memref<!tpu.dma_semaphore, #tpu.memory_space<semaphore_mem>>)
    %dma_wait3A_529 = arith.constant 0 : i32
    %dma_wait3A_530 = arith.constant 1 : i32
    %dma_wait3A_531 = arith.constant 0 : i32
    %dma_wait3A_532 = arith.constant 0 : i32
    %dma_wait3A_533 = tpu.memref_slice %arg6[%dma_wait3A_529, %dma_wait3A_531, %dma_wait3A_532] : memref<4x128x128xf32, #tpu.memory_space<vmem>> -> memref<1x128x128xf32, #tpu.memory_space<vmem>>
    %dma_wait3A_534 = tpu.memref_squeeze %dma_wait3A_533 : memref<1x128x128xf32, #tpu.memory_space<vmem>> -> memref<128x128xf32, #tpu.memory_space<vmem>>
    %dma_wait3A_535 = arith.constant 0 : i32
    %dma_wait3A_536 = arith.constant 0 : i32
    %dma_wait3A_537 = tpu.memref_slice %arg7[%arg1, %dma_wait3A_530, %dma_wait3A_535, %dma_wait3A_536] : memref<16x2x128x128xf32, #tpu.memory_space<vmem_shared>> -> memref<1x1x128x128xf32, #tpu.memory_space<vmem_shared>>
    %dma_wait3A_538 = tpu.memref_squeeze %dma_wait3A_537 : memref<1x1x128x128xf32, #tpu.memory_space<vmem_shared>> -> memref<128x128xf32, #tpu.memory_space<vmem_shared>>
    %dma_wait3A_539 = arith.constant 0 : i32
    %dma_wait3A_540 = arith.constant 0 : i32
    %dma_wait3A_541 = tpu.memref_slice %arg7[%arg1, %dma_wait3A_530, %dma_wait3A_539, %dma_wait3A_540] : memref<16x2x128x128xf32, #tpu.memory_space<vmem_shared>> -> memref<1x1x128x128xf32, #tpu.memory_space<vmem_shared>>
    %dma_wait3A_542 = tpu.memref_squeeze %dma_wait3A_541 : memref<1x1x128x128xf32, #tpu.memory_space<vmem_shared>> -> memref<128x128xf32, #tpu.memory_space<vmem_shared>>
    %dma_wait3A_543 = arith.constant 0 : i32
    %dma_wait3A_544 = arith.constant 0 : i32
    %dma_wait3A_545 = tpu.memref_slice %arg6[%dma_wait3A_529, %dma_wait3A_543, %dma_wait3A_544] : memref<4x128x128xf32, #tpu.memory_space<vmem>> -> memref<1x128x128xf32, #tpu.memory_space<vmem>>
    %dma_wait3A_546 = tpu.memref_squeeze %dma_wait3A_545 : memref<1x128x128xf32, #tpu.memory_space<vmem>> -> memref<128x128xf32, #tpu.memory_space<vmem>>
    tpu.wait_dma2 semaphore(%arg13 : memref<!tpu.dma_semaphore, #tpu.memory_space<semaphore_mem>>) src(%dma_wait3A_546 : memref<128x128xf32, #tpu.memory_space<vmem>>) dst(%dma_wait3A_542 : memref<128x128xf32, #tpu.memory_space<vmem_shared>>)
    %dma_start3A_547 = arith.constant 1 : i32
    %dma_start3A_548 = arith.constant 45 : i32
    %dma_start3A_549 = arith.constant 0 : i32
    %dma_start3A_550 = tpu.memref_slice %arg4[%dma_start3A_548, %mul3A_2, %dma_start3A_549] : memref<50x4096x128xf32, #tpu.memory_space<hbm>> -> memref<1x128x128xf32, #tpu.memory_space<hbm>>
    %dma_start3A_551 = tpu.memref_squeeze %dma_start3A_550 : memref<1x128x128xf32, #tpu.memory_space<hbm>> -> memref<128x128xf32, #tpu.memory_space<hbm>>
    %dma_start3A_552 = arith.constant 0 : i32
    %dma_start3A_553 = arith.constant 0 : i32
    %dma_start3A_554 = tpu.memref_slice %arg7[%arg1, %dma_start3A_547, %dma_start3A_552, %dma_start3A_553] : memref<16x2x128x128xf32, #tpu.memory_space<vmem_shared>> -> memref<1x1x128x128xf32, #tpu.memory_space<vmem_shared>>
    %dma_start3A_555 = tpu.memref_squeeze %dma_start3A_554 : memref<1x1x128x128xf32, #tpu.memory_space<vmem_shared>> -> memref<128x128xf32, #tpu.memory_space<vmem_shared>>
    tpu.enqueue_dma source(%dma_start3A_555 : memref<128x128xf32, #tpu.memory_space<vmem_shared>>) target(%dma_start3A_551 : memref<128x128xf32, #tpu.memory_space<hbm>>) target_semaphore(%arg15 : memref<!tpu.dma_semaphore, #tpu.memory_space<semaphore_mem>>)
    %dma_start3A_556 = arith.constant 49 : i32
    %dma_start3A_557 = arith.constant 1 : i32
    %dma_start3A_558 = arith.constant 0 : i32
    %dma_start3A_559 = arith.constant 0 : i32
    %dma_start3A_560 = tpu.memref_slice %arg6[%dma_start3A_557, %dma_start3A_558, %dma_start3A_559] : memref<4x128x128xf32, #tpu.memory_space<vmem>> -> memref<1x128x128xf32, #tpu.memory_space<vmem>>
    %dma_start3A_561 = tpu.memref_squeeze %dma_start3A_560 : memref<1x128x128xf32, #tpu.memory_space<vmem>> -> memref<128x128xf32, #tpu.memory_space<vmem>>
    %dma_start3A_562 = arith.constant 0 : i32
    %dma_start3A_563 = tpu.memref_slice %arg5[%dma_start3A_556, %dma_start3A_562] : memref<50x128xi32, #tpu.memory_space<vmem>> -> memref<1x128xi32, #tpu.memory_space<vmem>>
    %dma_start3A_564 = tpu.memref_squeeze %dma_start3A_563 : memref<1x128xi32, #tpu.memory_space<vmem>> -> memref<128xi32, #tpu.memory_space<vmem>>
    %dma_start3A_565 = arith.constant 0 : i32
    %dma_start3A_566 = arith.constant 0 : i32
    %dma_start3A_567 = tpu.memref_slice %arg3[%dma_start3A_565, %dma_start3A_566] : memref<100000x128xf32, #tpu.memory_space<hbm>> -> memref<100000x128xf32, #tpu.memory_space<hbm>>
    tpu.enqueue_indirect_dma source(%dma_start3A_567 : memref<100000x128xf32, #tpu.memory_space<hbm>>) target(%dma_start3A_561 : memref<128x128xf32, #tpu.memory_space<vmem>>) offsets(%dma_start3A_564 : memref<128xi32, #tpu.memory_space<vmem>>) semaphore(%arg9 : memref<!tpu.dma_semaphore, #tpu.memory_space<semaphore_mem>>)
    %dma_wait3A_568 = arith.constant 3 : i32
    %dma_wait3A_569 = arith.constant 0 : i32
    %dma_wait3A_570 = arith.constant 0 : i32
    %dma_wait3A_571 = tpu.memref_slice %arg6[%dma_wait3A_568, %dma_wait3A_569, %dma_wait3A_570] : memref<4x128x128xf32, #tpu.memory_space<vmem>> -> memref<1x128x128xf32, #tpu.memory_space<vmem>>
    %dma_wait3A_572 = tpu.memref_squeeze %dma_wait3A_571 : memref<1x128x128xf32, #tpu.memory_space<vmem>> -> memref<128x128xf32, #tpu.memory_space<vmem>>
    %dma_wait3A_573 = arith.constant 0 : i32
    %dma_wait3A_574 = arith.constant 0 : i32
    %dma_wait3A_575 = tpu.memref_slice %arg3[%dma_wait3A_573, %dma_wait3A_574] : memref<100000x128xf32, #tpu.memory_space<hbm>> -> memref<128x128xf32, #tpu.memory_space<hbm>>
    %dma_wait3A_576 = arith.constant 0 : i32
    %dma_wait3A_577 = arith.constant 0 : i32
    %dma_wait3A_578 = tpu.memref_slice %arg6[%dma_wait3A_568, %dma_wait3A_576, %dma_wait3A_577] : memref<4x128x128xf32, #tpu.memory_space<vmem>> -> memref<1x128x128xf32, #tpu.memory_space<vmem>>
    %dma_wait3A_579 = tpu.memref_squeeze %dma_wait3A_578 : memref<1x128x128xf32, #tpu.memory_space<vmem>> -> memref<128x128xf32, #tpu.memory_space<vmem>>
    %dma_wait3A_580 = arith.constant 0 : i32
    %dma_wait3A_581 = arith.constant 0 : i32
    %dma_wait3A_582 = tpu.memref_slice %arg3[%dma_wait3A_580, %dma_wait3A_581] : memref<100000x128xf32, #tpu.memory_space<hbm>> -> memref<128x128xf32, #tpu.memory_space<hbm>>
    tpu.wait_dma2 semaphore(%arg11 : memref<!tpu.dma_semaphore, #tpu.memory_space<semaphore_mem>>) src(%dma_wait3A_582 : memref<128x128xf32, #tpu.memory_space<hbm>>) dst(%dma_wait3A_579 : memref<128x128xf32, #tpu.memory_space<vmem>>)
    %dma_wait3A_583 = arith.constant 1 : i32
    %dma_wait3A_584 = arith.constant 0 : i32
    %dma_wait3A_585 = arith.constant 0 : i32
    %dma_wait3A_586 = arith.constant 0 : i32
    %dma_wait3A_587 = tpu.memref_slice %arg4[%dma_wait3A_584, %dma_wait3A_585, %dma_wait3A_586] : memref<50x4096x128xf32, #tpu.memory_space<hbm>> -> memref<1x128x128xf32, #tpu.memory_space<hbm>>
    %dma_wait3A_588 = tpu.memref_squeeze %dma_wait3A_587 : memref<1x128x128xf32, #tpu.memory_space<hbm>> -> memref<128x128xf32, #tpu.memory_space<hbm>>
    %dma_wait3A_589 = arith.constant 0 : i32
    %dma_wait3A_590 = arith.constant 0 : i32
    %dma_wait3A_591 = tpu.memref_slice %arg7[%arg1, %dma_wait3A_583, %dma_wait3A_589, %dma_wait3A_590] : memref<16x2x128x128xf32, #tpu.memory_space<vmem_shared>> -> memref<1x1x128x128xf32, #tpu.memory_space<vmem_shared>>
    %dma_wait3A_592 = tpu.memref_squeeze %dma_wait3A_591 : memref<1x1x128x128xf32, #tpu.memory_space<vmem_shared>> -> memref<128x128xf32, #tpu.memory_space<vmem_shared>>
    tpu.wait_dma2 semaphore(%arg15 : memref<!tpu.dma_semaphore, #tpu.memory_space<semaphore_mem>>) src(%dma_wait3A_592 : memref<128x128xf32, #tpu.memory_space<vmem_shared>>) dst(%dma_wait3A_588 : memref<128x128xf32, #tpu.memory_space<hbm>>)
    %dma_start3A_593 = arith.constant 3 : i32
    %dma_start3A_594 = arith.constant 1 : i32
    %dma_start3A_595 = arith.constant 0 : i32
    %dma_start3A_596 = arith.constant 0 : i32
    %dma_start3A_597 = tpu.memref_slice %arg6[%dma_start3A_593, %dma_start3A_595, %dma_start3A_596] : memref<4x128x128xf32, #tpu.memory_space<vmem>> -> memref<1x128x128xf32, #tpu.memory_space<vmem>>
    %dma_start3A_598 = tpu.memref_squeeze %dma_start3A_597 : memref<1x128x128xf32, #tpu.memory_space<vmem>> -> memref<128x128xf32, #tpu.memory_space<vmem>>
    %dma_start3A_599 = arith.constant 0 : i32
    %dma_start3A_600 = arith.constant 0 : i32
    %dma_start3A_601 = tpu.memref_slice %arg7[%arg1, %dma_start3A_594, %dma_start3A_599, %dma_start3A_600] : memref<16x2x128x128xf32, #tpu.memory_space<vmem_shared>> -> memref<1x1x128x128xf32, #tpu.memory_space<vmem_shared>>
    %dma_start3A_602 = tpu.memref_squeeze %dma_start3A_601 : memref<1x1x128x128xf32, #tpu.memory_space<vmem_shared>> -> memref<128x128xf32, #tpu.memory_space<vmem_shared>>
    %dma_start3A_603 = arith.constant 0 : i32
    %dma_start3A_604 = arith.constant 0 : i32
    %dma_start3A_605 = tpu.memref_slice %arg7[%arg1, %dma_start3A_594, %dma_start3A_603, %dma_start3A_604] : memref<16x2x128x128xf32, #tpu.memory_space<vmem_shared>> -> memref<1x1x128x128xf32, #tpu.memory_space<vmem_shared>>
    %dma_start3A_606 = tpu.memref_squeeze %dma_start3A_605 : memref<1x1x128x128xf32, #tpu.memory_space<vmem_shared>> -> memref<128x128xf32, #tpu.memory_space<vmem_shared>>
    %dma_start3A_607 = arith.constant 0 : i32
    %dma_start3A_608 = arith.constant 0 : i32
    %dma_start3A_609 = tpu.memref_slice %arg6[%dma_start3A_593, %dma_start3A_607, %dma_start3A_608] : memref<4x128x128xf32, #tpu.memory_space<vmem>> -> memref<1x128x128xf32, #tpu.memory_space<vmem>>
    %dma_start3A_610 = tpu.memref_squeeze %dma_start3A_609 : memref<1x128x128xf32, #tpu.memory_space<vmem>> -> memref<128x128xf32, #tpu.memory_space<vmem>>
    tpu.enqueue_dma source(%dma_start3A_610 : memref<128x128xf32, #tpu.memory_space<vmem>>) target(%dma_start3A_606 : memref<128x128xf32, #tpu.memory_space<vmem_shared>>) target_semaphore(%arg13 : memref<!tpu.dma_semaphore, #tpu.memory_space<semaphore_mem>>)
    %dma_wait3A_611 = arith.constant 0 : i32
    %dma_wait3A_612 = arith.constant 0 : i32
    %dma_wait3A_613 = arith.constant 0 : i32
    %dma_wait3A_614 = arith.constant 0 : i32
    %dma_wait3A_615 = tpu.memref_slice %arg6[%dma_wait3A_611, %dma_wait3A_613, %dma_wait3A_614] : memref<4x128x128xf32, #tpu.memory_space<vmem>> -> memref<1x128x128xf32, #tpu.memory_space<vmem>>
    %dma_wait3A_616 = tpu.memref_squeeze %dma_wait3A_615 : memref<1x128x128xf32, #tpu.memory_space<vmem>> -> memref<128x128xf32, #tpu.memory_space<vmem>>
    %dma_wait3A_617 = arith.constant 0 : i32
    %dma_wait3A_618 = arith.constant 0 : i32
    %dma_wait3A_619 = tpu.memref_slice %arg7[%arg1, %dma_wait3A_612, %dma_wait3A_617, %dma_wait3A_618] : memref<16x2x128x128xf32, #tpu.memory_space<vmem_shared>> -> memref<1x1x128x128xf32, #tpu.memory_space<vmem_shared>>
    %dma_wait3A_620 = tpu.memref_squeeze %dma_wait3A_619 : memref<1x1x128x128xf32, #tpu.memory_space<vmem_shared>> -> memref<128x128xf32, #tpu.memory_space<vmem_shared>>
    %dma_wait3A_621 = arith.constant 0 : i32
    %dma_wait3A_622 = arith.constant 0 : i32
    %dma_wait3A_623 = tpu.memref_slice %arg7[%arg1, %dma_wait3A_612, %dma_wait3A_621, %dma_wait3A_622] : memref<16x2x128x128xf32, #tpu.memory_space<vmem_shared>> -> memref<1x1x128x128xf32, #tpu.memory_space<vmem_shared>>
    %dma_wait3A_624 = tpu.memref_squeeze %dma_wait3A_623 : memref<1x1x128x128xf32, #tpu.memory_space<vmem_shared>> -> memref<128x128xf32, #tpu.memory_space<vmem_shared>>
    %dma_wait3A_625 = arith.constant 0 : i32
    %dma_wait3A_626 = arith.constant 0 : i32
    %dma_wait3A_627 = tpu.memref_slice %arg6[%dma_wait3A_611, %dma_wait3A_625, %dma_wait3A_626] : memref<4x128x128xf32, #tpu.memory_space<vmem>> -> memref<1x128x128xf32, #tpu.memory_space<vmem>>
    %dma_wait3A_628 = tpu.memref_squeeze %dma_wait3A_627 : memref<1x128x128xf32, #tpu.memory_space<vmem>> -> memref<128x128xf32, #tpu.memory_space<vmem>>
    tpu.wait_dma2 semaphore(%arg12 : memref<!tpu.dma_semaphore, #tpu.memory_space<semaphore_mem>>) src(%dma_wait3A_628 : memref<128x128xf32, #tpu.memory_space<vmem>>) dst(%dma_wait3A_624 : memref<128x128xf32, #tpu.memory_space<vmem_shared>>)
    %dma_start3A_629 = arith.constant 0 : i32
    %dma_start3A_630 = arith.constant 46 : i32
    %dma_start3A_631 = arith.constant 0 : i32
    %dma_start3A_632 = tpu.memref_slice %arg4[%dma_start3A_630, %mul3A_2, %dma_start3A_631] : memref<50x4096x128xf32, #tpu.memory_space<hbm>> -> memref<1x128x128xf32, #tpu.memory_space<hbm>>
    %dma_start3A_633 = tpu.memref_squeeze %dma_start3A_632 : memref<1x128x128xf32, #tpu.memory_space<hbm>> -> memref<128x128xf32, #tpu.memory_space<hbm>>
    %dma_start3A_634 = arith.constant 0 : i32
    %dma_start3A_635 = arith.constant 0 : i32
    %dma_start3A_636 = tpu.memref_slice %arg7[%arg1, %dma_start3A_629, %dma_start3A_634, %dma_start3A_635] : memref<16x2x128x128xf32, #tpu.memory_space<vmem_shared>> -> memref<1x1x128x128xf32, #tpu.memory_space<vmem_shared>>
    %dma_start3A_637 = tpu.memref_squeeze %dma_start3A_636 : memref<1x1x128x128xf32, #tpu.memory_space<vmem_shared>> -> memref<128x128xf32, #tpu.memory_space<vmem_shared>>
    tpu.enqueue_dma source(%dma_start3A_637 : memref<128x128xf32, #tpu.memory_space<vmem_shared>>) target(%dma_start3A_633 : memref<128x128xf32, #tpu.memory_space<hbm>>) target_semaphore(%arg14 : memref<!tpu.dma_semaphore, #tpu.memory_space<semaphore_mem>>)
    %dma_wait3A_638 = arith.constant 0 : i32
    %dma_wait3A_639 = arith.constant 0 : i32
    %dma_wait3A_640 = arith.constant 0 : i32
    %dma_wait3A_641 = tpu.memref_slice %arg6[%dma_wait3A_638, %dma_wait3A_639, %dma_wait3A_640] : memref<4x128x128xf32, #tpu.memory_space<vmem>> -> memref<1x128x128xf32, #tpu.memory_space<vmem>>
    %dma_wait3A_642 = tpu.memref_squeeze %dma_wait3A_641 : memref<1x128x128xf32, #tpu.memory_space<vmem>> -> memref<128x128xf32, #tpu.memory_space<vmem>>
    %dma_wait3A_643 = arith.constant 0 : i32
    %dma_wait3A_644 = arith.constant 0 : i32
    %dma_wait3A_645 = tpu.memref_slice %arg3[%dma_wait3A_643, %dma_wait3A_644] : memref<100000x128xf32, #tpu.memory_space<hbm>> -> memref<128x128xf32, #tpu.memory_space<hbm>>
    %dma_wait3A_646 = arith.constant 0 : i32
    %dma_wait3A_647 = arith.constant 0 : i32
    %dma_wait3A_648 = tpu.memref_slice %arg6[%dma_wait3A_638, %dma_wait3A_646, %dma_wait3A_647] : memref<4x128x128xf32, #tpu.memory_space<vmem>> -> memref<1x128x128xf32, #tpu.memory_space<vmem>>
    %dma_wait3A_649 = tpu.memref_squeeze %dma_wait3A_648 : memref<1x128x128xf32, #tpu.memory_space<vmem>> -> memref<128x128xf32, #tpu.memory_space<vmem>>
    %dma_wait3A_650 = arith.constant 0 : i32
    %dma_wait3A_651 = arith.constant 0 : i32
    %dma_wait3A_652 = tpu.memref_slice %arg3[%dma_wait3A_650, %dma_wait3A_651] : memref<100000x128xf32, #tpu.memory_space<hbm>> -> memref<128x128xf32, #tpu.memory_space<hbm>>
    tpu.wait_dma2 semaphore(%arg8 : memref<!tpu.dma_semaphore, #tpu.memory_space<semaphore_mem>>) src(%dma_wait3A_652 : memref<128x128xf32, #tpu.memory_space<hbm>>) dst(%dma_wait3A_649 : memref<128x128xf32, #tpu.memory_space<vmem>>)
    %dma_wait3A_653 = arith.constant 0 : i32
    %dma_wait3A_654 = arith.constant 0 : i32
    %dma_wait3A_655 = arith.constant 0 : i32
    %dma_wait3A_656 = arith.constant 0 : i32
    %dma_wait3A_657 = tpu.memref_slice %arg4[%dma_wait3A_654, %dma_wait3A_655, %dma_wait3A_656] : memref<50x4096x128xf32, #tpu.memory_space<hbm>> -> memref<1x128x128xf32, #tpu.memory_space<hbm>>
    %dma_wait3A_658 = tpu.memref_squeeze %dma_wait3A_657 : memref<1x128x128xf32, #tpu.memory_space<hbm>> -> memref<128x128xf32, #tpu.memory_space<hbm>>
    %dma_wait3A_659 = arith.constant 0 : i32
    %dma_wait3A_660 = arith.constant 0 : i32
    %dma_wait3A_661 = tpu.memref_slice %arg7[%arg1, %dma_wait3A_653, %dma_wait3A_659, %dma_wait3A_660] : memref<16x2x128x128xf32, #tpu.memory_space<vmem_shared>> -> memref<1x1x128x128xf32, #tpu.memory_space<vmem_shared>>
    %dma_wait3A_662 = tpu.memref_squeeze %dma_wait3A_661 : memref<1x1x128x128xf32, #tpu.memory_space<vmem_shared>> -> memref<128x128xf32, #tpu.memory_space<vmem_shared>>
    tpu.wait_dma2 semaphore(%arg14 : memref<!tpu.dma_semaphore, #tpu.memory_space<semaphore_mem>>) src(%dma_wait3A_662 : memref<128x128xf32, #tpu.memory_space<vmem_shared>>) dst(%dma_wait3A_658 : memref<128x128xf32, #tpu.memory_space<hbm>>)
    %dma_start3A_663 = arith.constant 0 : i32
    %dma_start3A_664 = arith.constant 0 : i32
    %dma_start3A_665 = arith.constant 0 : i32
    %dma_start3A_666 = arith.constant 0 : i32
    %dma_start3A_667 = tpu.memref_slice %arg6[%dma_start3A_663, %dma_start3A_665, %dma_start3A_666] : memref<4x128x128xf32, #tpu.memory_space<vmem>> -> memref<1x128x128xf32, #tpu.memory_space<vmem>>
    %dma_start3A_668 = tpu.memref_squeeze %dma_start3A_667 : memref<1x128x128xf32, #tpu.memory_space<vmem>> -> memref<128x128xf32, #tpu.memory_space<vmem>>
    %dma_start3A_669 = arith.constant 0 : i32
    %dma_start3A_670 = arith.constant 0 : i32
    %dma_start3A_671 = tpu.memref_slice %arg7[%arg1, %dma_start3A_664, %dma_start3A_669, %dma_start3A_670] : memref<16x2x128x128xf32, #tpu.memory_space<vmem_shared>> -> memref<1x1x128x128xf32, #tpu.memory_space<vmem_shared>>
    %dma_start3A_672 = tpu.memref_squeeze %dma_start3A_671 : memref<1x1x128x128xf32, #tpu.memory_space<vmem_shared>> -> memref<128x128xf32, #tpu.memory_space<vmem_shared>>
    %dma_start3A_673 = arith.constant 0 : i32
    %dma_start3A_674 = arith.constant 0 : i32
    %dma_start3A_675 = tpu.memref_slice %arg7[%arg1, %dma_start3A_664, %dma_start3A_673, %dma_start3A_674] : memref<16x2x128x128xf32, #tpu.memory_space<vmem_shared>> -> memref<1x1x128x128xf32, #tpu.memory_space<vmem_shared>>
    %dma_start3A_676 = tpu.memref_squeeze %dma_start3A_675 : memref<1x1x128x128xf32, #tpu.memory_space<vmem_shared>> -> memref<128x128xf32, #tpu.memory_space<vmem_shared>>
    %dma_start3A_677 = arith.constant 0 : i32
    %dma_start3A_678 = arith.constant 0 : i32
    %dma_start3A_679 = tpu.memref_slice %arg6[%dma_start3A_663, %dma_start3A_677, %dma_start3A_678] : memref<4x128x128xf32, #tpu.memory_space<vmem>> -> memref<1x128x128xf32, #tpu.memory_space<vmem>>
    %dma_start3A_680 = tpu.memref_squeeze %dma_start3A_679 : memref<1x128x128xf32, #tpu.memory_space<vmem>> -> memref<128x128xf32, #tpu.memory_space<vmem>>
    tpu.enqueue_dma source(%dma_start3A_680 : memref<128x128xf32, #tpu.memory_space<vmem>>) target(%dma_start3A_676 : memref<128x128xf32, #tpu.memory_space<vmem_shared>>) target_semaphore(%arg12 : memref<!tpu.dma_semaphore, #tpu.memory_space<semaphore_mem>>)
    %dma_wait3A_681 = arith.constant 0 : i32
    %dma_wait3A_682 = arith.constant 1 : i32
    %dma_wait3A_683 = arith.constant 0 : i32
    %dma_wait3A_684 = arith.constant 0 : i32
    %dma_wait3A_685 = tpu.memref_slice %arg6[%dma_wait3A_681, %dma_wait3A_683, %dma_wait3A_684] : memref<4x128x128xf32, #tpu.memory_space<vmem>> -> memref<1x128x128xf32, #tpu.memory_space<vmem>>
    %dma_wait3A_686 = tpu.memref_squeeze %dma_wait3A_685 : memref<1x128x128xf32, #tpu.memory_space<vmem>> -> memref<128x128xf32, #tpu.memory_space<vmem>>
    %dma_wait3A_687 = arith.constant 0 : i32
    %dma_wait3A_688 = arith.constant 0 : i32
    %dma_wait3A_689 = tpu.memref_slice %arg7[%arg1, %dma_wait3A_682, %dma_wait3A_687, %dma_wait3A_688] : memref<16x2x128x128xf32, #tpu.memory_space<vmem_shared>> -> memref<1x1x128x128xf32, #tpu.memory_space<vmem_shared>>
    %dma_wait3A_690 = tpu.memref_squeeze %dma_wait3A_689 : memref<1x1x128x128xf32, #tpu.memory_space<vmem_shared>> -> memref<128x128xf32, #tpu.memory_space<vmem_shared>>
    %dma_wait3A_691 = arith.constant 0 : i32
    %dma_wait3A_692 = arith.constant 0 : i32
    %dma_wait3A_693 = tpu.memref_slice %arg7[%arg1, %dma_wait3A_682, %dma_wait3A_691, %dma_wait3A_692] : memref<16x2x128x128xf32, #tpu.memory_space<vmem_shared>> -> memref<1x1x128x128xf32, #tpu.memory_space<vmem_shared>>
    %dma_wait3A_694 = tpu.memref_squeeze %dma_wait3A_693 : memref<1x1x128x128xf32, #tpu.memory_space<vmem_shared>> -> memref<128x128xf32, #tpu.memory_space<vmem_shared>>
    %dma_wait3A_695 = arith.constant 0 : i32
    %dma_wait3A_696 = arith.constant 0 : i32
    %dma_wait3A_697 = tpu.memref_slice %arg6[%dma_wait3A_681, %dma_wait3A_695, %dma_wait3A_696] : memref<4x128x128xf32, #tpu.memory_space<vmem>> -> memref<1x128x128xf32, #tpu.memory_space<vmem>>
    %dma_wait3A_698 = tpu.memref_squeeze %dma_wait3A_697 : memref<1x128x128xf32, #tpu.memory_space<vmem>> -> memref<128x128xf32, #tpu.memory_space<vmem>>
    tpu.wait_dma2 semaphore(%arg13 : memref<!tpu.dma_semaphore, #tpu.memory_space<semaphore_mem>>) src(%dma_wait3A_698 : memref<128x128xf32, #tpu.memory_space<vmem>>) dst(%dma_wait3A_694 : memref<128x128xf32, #tpu.memory_space<vmem_shared>>)
    %dma_start3A_699 = arith.constant 1 : i32
    %dma_start3A_700 = arith.constant 47 : i32
    %dma_start3A_701 = arith.constant 0 : i32
    %dma_start3A_702 = tpu.memref_slice %arg4[%dma_start3A_700, %mul3A_2, %dma_start3A_701] : memref<50x4096x128xf32, #tpu.memory_space<hbm>> -> memref<1x128x128xf32, #tpu.memory_space<hbm>>
    %dma_start3A_703 = tpu.memref_squeeze %dma_start3A_702 : memref<1x128x128xf32, #tpu.memory_space<hbm>> -> memref<128x128xf32, #tpu.memory_space<hbm>>
    %dma_start3A_704 = arith.constant 0 : i32
    %dma_start3A_705 = arith.constant 0 : i32
    %dma_start3A_706 = tpu.memref_slice %arg7[%arg1, %dma_start3A_699, %dma_start3A_704, %dma_start3A_705] : memref<16x2x128x128xf32, #tpu.memory_space<vmem_shared>> -> memref<1x1x128x128xf32, #tpu.memory_space<vmem_shared>>
    %dma_start3A_707 = tpu.memref_squeeze %dma_start3A_706 : memref<1x1x128x128xf32, #tpu.memory_space<vmem_shared>> -> memref<128x128xf32, #tpu.memory_space<vmem_shared>>
    tpu.enqueue_dma source(%dma_start3A_707 : memref<128x128xf32, #tpu.memory_space<vmem_shared>>) target(%dma_start3A_703 : memref<128x128xf32, #tpu.memory_space<hbm>>) target_semaphore(%arg15 : memref<!tpu.dma_semaphore, #tpu.memory_space<semaphore_mem>>)
    %dma_wait3A_708 = arith.constant 1 : i32
    %dma_wait3A_709 = arith.constant 0 : i32
    %dma_wait3A_710 = arith.constant 0 : i32
    %dma_wait3A_711 = tpu.memref_slice %arg6[%dma_wait3A_708, %dma_wait3A_709, %dma_wait3A_710] : memref<4x128x128xf32, #tpu.memory_space<vmem>> -> memref<1x128x128xf32, #tpu.memory_space<vmem>>
    %dma_wait3A_712 = tpu.memref_squeeze %dma_wait3A_711 : memref<1x128x128xf32, #tpu.memory_space<vmem>> -> memref<128x128xf32, #tpu.memory_space<vmem>>
    %dma_wait3A_713 = arith.constant 0 : i32
    %dma_wait3A_714 = arith.constant 0 : i32
    %dma_wait3A_715 = tpu.memref_slice %arg3[%dma_wait3A_713, %dma_wait3A_714] : memref<100000x128xf32, #tpu.memory_space<hbm>> -> memref<128x128xf32, #tpu.memory_space<hbm>>
    %dma_wait3A_716 = arith.constant 0 : i32
    %dma_wait3A_717 = arith.constant 0 : i32
    %dma_wait3A_718 = tpu.memref_slice %arg6[%dma_wait3A_708, %dma_wait3A_716, %dma_wait3A_717] : memref<4x128x128xf32, #tpu.memory_space<vmem>> -> memref<1x128x128xf32, #tpu.memory_space<vmem>>
    %dma_wait3A_719 = tpu.memref_squeeze %dma_wait3A_718 : memref<1x128x128xf32, #tpu.memory_space<vmem>> -> memref<128x128xf32, #tpu.memory_space<vmem>>
    %dma_wait3A_720 = arith.constant 0 : i32
    %dma_wait3A_721 = arith.constant 0 : i32
    %dma_wait3A_722 = tpu.memref_slice %arg3[%dma_wait3A_720, %dma_wait3A_721] : memref<100000x128xf32, #tpu.memory_space<hbm>> -> memref<128x128xf32, #tpu.memory_space<hbm>>
    tpu.wait_dma2 semaphore(%arg9 : memref<!tpu.dma_semaphore, #tpu.memory_space<semaphore_mem>>) src(%dma_wait3A_722 : memref<128x128xf32, #tpu.memory_space<hbm>>) dst(%dma_wait3A_719 : memref<128x128xf32, #tpu.memory_space<vmem>>)
    %dma_wait3A_723 = arith.constant 1 : i32
    %dma_wait3A_724 = arith.constant 0 : i32
    %dma_wait3A_725 = arith.constant 0 : i32
    %dma_wait3A_726 = arith.constant 0 : i32
    %dma_wait3A_727 = tpu.memref_slice %arg4[%dma_wait3A_724, %dma_wait3A_725, %dma_wait3A_726] : memref<50x4096x128xf32, #tpu.memory_space<hbm>> -> memref<1x128x128xf32, #tpu.memory_space<hbm>>
    %dma_wait3A_728 = tpu.memref_squeeze %dma_wait3A_727 : memref<1x128x128xf32, #tpu.memory_space<hbm>> -> memref<128x128xf32, #tpu.memory_space<hbm>>
    %dma_wait3A_729 = arith.constant 0 : i32
    %dma_wait3A_730 = arith.constant 0 : i32
    %dma_wait3A_731 = tpu.memref_slice %arg7[%arg1, %dma_wait3A_723, %dma_wait3A_729, %dma_wait3A_730] : memref<16x2x128x128xf32, #tpu.memory_space<vmem_shared>> -> memref<1x1x128x128xf32, #tpu.memory_space<vmem_shared>>
    %dma_wait3A_732 = tpu.memref_squeeze %dma_wait3A_731 : memref<1x1x128x128xf32, #tpu.memory_space<vmem_shared>> -> memref<128x128xf32, #tpu.memory_space<vmem_shared>>
    tpu.wait_dma2 semaphore(%arg15 : memref<!tpu.dma_semaphore, #tpu.memory_space<semaphore_mem>>) src(%dma_wait3A_732 : memref<128x128xf32, #tpu.memory_space<vmem_shared>>) dst(%dma_wait3A_728 : memref<128x128xf32, #tpu.memory_space<hbm>>)
    %dma_start3A_733 = arith.constant 1 : i32
    %dma_start3A_734 = arith.constant 1 : i32
    %dma_start3A_735 = arith.constant 0 : i32
    %dma_start3A_736 = arith.constant 0 : i32
    %dma_start3A_737 = tpu.memref_slice %arg6[%dma_start3A_733, %dma_start3A_735, %dma_start3A_736] : memref<4x128x128xf32, #tpu.memory_space<vmem>> -> memref<1x128x128xf32, #tpu.memory_space<vmem>>
    %dma_start3A_738 = tpu.memref_squeeze %dma_start3A_737 : memref<1x128x128xf32, #tpu.memory_space<vmem>> -> memref<128x128xf32, #tpu.memory_space<vmem>>
    %dma_start3A_739 = arith.constant 0 : i32
    %dma_start3A_740 = arith.constant 0 : i32
    %dma_start3A_741 = tpu.memref_slice %arg7[%arg1, %dma_start3A_734, %dma_start3A_739, %dma_start3A_740] : memref<16x2x128x128xf32, #tpu.memory_space<vmem_shared>> -> memref<1x1x128x128xf32, #tpu.memory_space<vmem_shared>>
    %dma_start3A_742 = tpu.memref_squeeze %dma_start3A_741 : memref<1x1x128x128xf32, #tpu.memory_space<vmem_shared>> -> memref<128x128xf32, #tpu.memory_space<vmem_shared>>
    %dma_start3A_743 = arith.constant 0 : i32
    %dma_start3A_744 = arith.constant 0 : i32
    %dma_start3A_745 = tpu.memref_slice %arg7[%arg1, %dma_start3A_734, %dma_start3A_743, %dma_start3A_744] : memref<16x2x128x128xf32, #tpu.memory_space<vmem_shared>> -> memref<1x1x128x128xf32, #tpu.memory_space<vmem_shared>>
    %dma_start3A_746 = tpu.memref_squeeze %dma_start3A_745 : memref<1x1x128x128xf32, #tpu.memory_space<vmem_shared>> -> memref<128x128xf32, #tpu.memory_space<vmem_shared>>
    %dma_start3A_747 = arith.constant 0 : i32
    %dma_start3A_748 = arith.constant 0 : i32
    %dma_start3A_749 = tpu.memref_slice %arg6[%dma_start3A_733, %dma_start3A_747, %dma_start3A_748] : memref<4x128x128xf32, #tpu.memory_space<vmem>> -> memref<1x128x128xf32, #tpu.memory_space<vmem>>
    %dma_start3A_750 = tpu.memref_squeeze %dma_start3A_749 : memref<1x128x128xf32, #tpu.memory_space<vmem>> -> memref<128x128xf32, #tpu.memory_space<vmem>>
    tpu.enqueue_dma source(%dma_start3A_750 : memref<128x128xf32, #tpu.memory_space<vmem>>) target(%dma_start3A_746 : memref<128x128xf32, #tpu.memory_space<vmem_shared>>) target_semaphore(%arg13 : memref<!tpu.dma_semaphore, #tpu.memory_space<semaphore_mem>>)
    %dma_wait3A_751 = arith.constant 0 : i32
    %dma_wait3A_752 = arith.constant 0 : i32
    %dma_wait3A_753 = arith.constant 0 : i32
    %dma_wait3A_754 = arith.constant 0 : i32
    %dma_wait3A_755 = tpu.memref_slice %arg6[%dma_wait3A_751, %dma_wait3A_753, %dma_wait3A_754] : memref<4x128x128xf32, #tpu.memory_space<vmem>> -> memref<1x128x128xf32, #tpu.memory_space<vmem>>
    %dma_wait3A_756 = tpu.memref_squeeze %dma_wait3A_755 : memref<1x128x128xf32, #tpu.memory_space<vmem>> -> memref<128x128xf32, #tpu.memory_space<vmem>>
    %dma_wait3A_757 = arith.constant 0 : i32
    %dma_wait3A_758 = arith.constant 0 : i32
    %dma_wait3A_759 = tpu.memref_slice %arg7[%arg1, %dma_wait3A_752, %dma_wait3A_757, %dma_wait3A_758] : memref<16x2x128x128xf32, #tpu.memory_space<vmem_shared>> -> memref<1x1x128x128xf32, #tpu.memory_space<vmem_shared>>
    %dma_wait3A_760 = tpu.memref_squeeze %dma_wait3A_759 : memref<1x1x128x128xf32, #tpu.memory_space<vmem_shared>> -> memref<128x128xf32, #tpu.memory_space<vmem_shared>>
    %dma_wait3A_761 = arith.constant 0 : i32
    %dma_wait3A_762 = arith.constant 0 : i32
    %dma_wait3A_763 = tpu.memref_slice %arg7[%arg1, %dma_wait3A_752, %dma_wait3A_761, %dma_wait3A_762] : memref<16x2x128x128xf32, #tpu.memory_space<vmem_shared>> -> memref<1x1x128x128xf32, #tpu.memory_space<vmem_shared>>
    %dma_wait3A_764 = tpu.memref_squeeze %dma_wait3A_763 : memref<1x1x128x128xf32, #tpu.memory_space<vmem_shared>> -> memref<128x128xf32, #tpu.memory_space<vmem_shared>>
    %dma_wait3A_765 = arith.constant 0 : i32
    %dma_wait3A_766 = arith.constant 0 : i32
    %dma_wait3A_767 = tpu.memref_slice %arg6[%dma_wait3A_751, %dma_wait3A_765, %dma_wait3A_766] : memref<4x128x128xf32, #tpu.memory_space<vmem>> -> memref<1x128x128xf32, #tpu.memory_space<vmem>>
    %dma_wait3A_768 = tpu.memref_squeeze %dma_wait3A_767 : memref<1x128x128xf32, #tpu.memory_space<vmem>> -> memref<128x128xf32, #tpu.memory_space<vmem>>
    tpu.wait_dma2 semaphore(%arg12 : memref<!tpu.dma_semaphore, #tpu.memory_space<semaphore_mem>>) src(%dma_wait3A_768 : memref<128x128xf32, #tpu.memory_space<vmem>>) dst(%dma_wait3A_764 : memref<128x128xf32, #tpu.memory_space<vmem_shared>>)
    %dma_start3A_769 = arith.constant 0 : i32
    %dma_start3A_770 = arith.constant 48 : i32
    %dma_start3A_771 = arith.constant 0 : i32
    %dma_start3A_772 = tpu.memref_slice %arg4[%dma_start3A_770, %mul3A_2, %dma_start3A_771] : memref<50x4096x128xf32, #tpu.memory_space<hbm>> -> memref<1x128x128xf32, #tpu.memory_space<hbm>>
    %dma_start3A_773 = tpu.memref_squeeze %dma_start3A_772 : memref<1x128x128xf32, #tpu.memory_space<hbm>> -> memref<128x128xf32, #tpu.memory_space<hbm>>
    %dma_start3A_774 = arith.constant 0 : i32
    %dma_start3A_775 = arith.constant 0 : i32
    %dma_start3A_776 = tpu.memref_slice %arg7[%arg1, %dma_start3A_769, %dma_start3A_774, %dma_start3A_775] : memref<16x2x128x128xf32, #tpu.memory_space<vmem_shared>> -> memref<1x1x128x128xf32, #tpu.memory_space<vmem_shared>>
    %dma_start3A_777 = tpu.memref_squeeze %dma_start3A_776 : memref<1x1x128x128xf32, #tpu.memory_space<vmem_shared>> -> memref<128x128xf32, #tpu.memory_space<vmem_shared>>
    tpu.enqueue_dma source(%dma_start3A_777 : memref<128x128xf32, #tpu.memory_space<vmem_shared>>) target(%dma_start3A_773 : memref<128x128xf32, #tpu.memory_space<hbm>>) target_semaphore(%arg14 : memref<!tpu.dma_semaphore, #tpu.memory_space<semaphore_mem>>)
    %dma_wait3A_778 = arith.constant 0 : i32
    %dma_wait3A_779 = arith.constant 1 : i32
    %dma_wait3A_780 = arith.constant 0 : i32
    %dma_wait3A_781 = arith.constant 0 : i32
    %dma_wait3A_782 = tpu.memref_slice %arg6[%dma_wait3A_778, %dma_wait3A_780, %dma_wait3A_781] : memref<4x128x128xf32, #tpu.memory_space<vmem>> -> memref<1x128x128xf32, #tpu.memory_space<vmem>>
    %dma_wait3A_783 = tpu.memref_squeeze %dma_wait3A_782 : memref<1x128x128xf32, #tpu.memory_space<vmem>> -> memref<128x128xf32, #tpu.memory_space<vmem>>
    %dma_wait3A_784 = arith.constant 0 : i32
    %dma_wait3A_785 = arith.constant 0 : i32
    %dma_wait3A_786 = tpu.memref_slice %arg7[%arg1, %dma_wait3A_779, %dma_wait3A_784, %dma_wait3A_785] : memref<16x2x128x128xf32, #tpu.memory_space<vmem_shared>> -> memref<1x1x128x128xf32, #tpu.memory_space<vmem_shared>>
    %dma_wait3A_787 = tpu.memref_squeeze %dma_wait3A_786 : memref<1x1x128x128xf32, #tpu.memory_space<vmem_shared>> -> memref<128x128xf32, #tpu.memory_space<vmem_shared>>
    %dma_wait3A_788 = arith.constant 0 : i32
    %dma_wait3A_789 = arith.constant 0 : i32
    %dma_wait3A_790 = tpu.memref_slice %arg7[%arg1, %dma_wait3A_779, %dma_wait3A_788, %dma_wait3A_789] : memref<16x2x128x128xf32, #tpu.memory_space<vmem_shared>> -> memref<1x1x128x128xf32, #tpu.memory_space<vmem_shared>>
    %dma_wait3A_791 = tpu.memref_squeeze %dma_wait3A_790 : memref<1x1x128x128xf32, #tpu.memory_space<vmem_shared>> -> memref<128x128xf32, #tpu.memory_space<vmem_shared>>
    %dma_wait3A_792 = arith.constant 0 : i32
    %dma_wait3A_793 = arith.constant 0 : i32
    %dma_wait3A_794 = tpu.memref_slice %arg6[%dma_wait3A_778, %dma_wait3A_792, %dma_wait3A_793] : memref<4x128x128xf32, #tpu.memory_space<vmem>> -> memref<1x128x128xf32, #tpu.memory_space<vmem>>
    %dma_wait3A_795 = tpu.memref_squeeze %dma_wait3A_794 : memref<1x128x128xf32, #tpu.memory_space<vmem>> -> memref<128x128xf32, #tpu.memory_space<vmem>>
    tpu.wait_dma2 semaphore(%arg13 : memref<!tpu.dma_semaphore, #tpu.memory_space<semaphore_mem>>) src(%dma_wait3A_795 : memref<128x128xf32, #tpu.memory_space<vmem>>) dst(%dma_wait3A_791 : memref<128x128xf32, #tpu.memory_space<vmem_shared>>)
    %dma_start3A_796 = arith.constant 1 : i32
    %dma_start3A_797 = arith.constant 49 : i32
    %dma_start3A_798 = arith.constant 0 : i32
    %dma_start3A_799 = tpu.memref_slice %arg4[%dma_start3A_797, %mul3A_2, %dma_start3A_798] : memref<50x4096x128xf32, #tpu.memory_space<hbm>> -> memref<1x128x128xf32, #tpu.memory_space<hbm>>
    %dma_start3A_800 = tpu.memref_squeeze %dma_start3A_799 : memref<1x128x128xf32, #tpu.memory_space<hbm>> -> memref<128x128xf32, #tpu.memory_space<hbm>>
    %dma_start3A_801 = arith.constant 0 : i32
    %dma_start3A_802 = arith.constant 0 : i32
    %dma_start3A_803 = tpu.memref_slice %arg7[%arg1, %dma_start3A_796, %dma_start3A_801, %dma_start3A_802] : memref<16x2x128x128xf32, #tpu.memory_space<vmem_shared>> -> memref<1x1x128x128xf32, #tpu.memory_space<vmem_shared>>
    %dma_start3A_804 = tpu.memref_squeeze %dma_start3A_803 : memref<1x1x128x128xf32, #tpu.memory_space<vmem_shared>> -> memref<128x128xf32, #tpu.memory_space<vmem_shared>>
    tpu.enqueue_dma source(%dma_start3A_804 : memref<128x128xf32, #tpu.memory_space<vmem_shared>>) target(%dma_start3A_800 : memref<128x128xf32, #tpu.memory_space<hbm>>) target_semaphore(%arg15 : memref<!tpu.dma_semaphore, #tpu.memory_space<semaphore_mem>>)
    %dma_wait3A_805 = arith.constant 0 : i32
    %dma_wait3A_806 = arith.constant 0 : i32
    %dma_wait3A_807 = arith.constant 0 : i32
    %dma_wait3A_808 = arith.constant 0 : i32
    %dma_wait3A_809 = tpu.memref_slice %arg4[%dma_wait3A_806, %dma_wait3A_807, %dma_wait3A_808] : memref<50x4096x128xf32, #tpu.memory_space<hbm>> -> memref<1x128x128xf32, #tpu.memory_space<hbm>>
    %dma_wait3A_810 = tpu.memref_squeeze %dma_wait3A_809 : memref<1x128x128xf32, #tpu.memory_space<hbm>> -> memref<128x128xf32, #tpu.memory_space<hbm>>
    %dma_wait3A_811 = arith.constant 0 : i32
    %dma_wait3A_812 = arith.constant 0 : i32
    %dma_wait3A_813 = tpu.memref_slice %arg7[%arg1, %dma_wait3A_805, %dma_wait3A_811, %dma_wait3A_812] : memref<16x2x128x128xf32, #tpu.memory_space<vmem_shared>> -> memref<1x1x128x128xf32, #tpu.memory_space<vmem_shared>>
    %dma_wait3A_814 = tpu.memref_squeeze %dma_wait3A_813 : memref<1x1x128x128xf32, #tpu.memory_space<vmem_shared>> -> memref<128x128xf32, #tpu.memory_space<vmem_shared>>
    tpu.wait_dma2 semaphore(%arg14 : memref<!tpu.dma_semaphore, #tpu.memory_space<semaphore_mem>>) src(%dma_wait3A_814 : memref<128x128xf32, #tpu.memory_space<vmem_shared>>) dst(%dma_wait3A_810 : memref<128x128xf32, #tpu.memory_space<hbm>>)
    %dma_wait3A_815 = arith.constant 1 : i32
    %dma_wait3A_816 = arith.constant 0 : i32
    %dma_wait3A_817 = arith.constant 0 : i32
    %dma_wait3A_818 = arith.constant 0 : i32
    %dma_wait3A_819 = tpu.memref_slice %arg4[%dma_wait3A_816, %dma_wait3A_817, %dma_wait3A_818] : memref<50x4096x128xf32, #tpu.memory_space<hbm>> -> memref<1x128x128xf32, #tpu.memory_space<hbm>>
    %dma_wait3A_820 = tpu.memref_squeeze %dma_wait3A_819 : memref<1x128x128xf32, #tpu.memory_space<hbm>> -> memref<128x128xf32, #tpu.memory_space<hbm>>
    %dma_wait3A_821 = arith.constant 0 : i32
    %dma_wait3A_822 = arith.constant 0 : i32
    %dma_wait3A_823 = tpu.memref_slice %arg7[%arg1, %dma_wait3A_815, %dma_wait3A_821, %dma_wait3A_822] : memref<16x2x128x128xf32, #tpu.memory_space<vmem_shared>> -> memref<1x1x128x128xf32, #tpu.memory_space<vmem_shared>>
    %dma_wait3A_824 = tpu.memref_squeeze %dma_wait3A_823 : memref<1x1x128x128xf32, #tpu.memory_space<vmem_shared>> -> memref<128x128xf32, #tpu.memory_space<vmem_shared>>
    tpu.wait_dma2 semaphore(%arg15 : memref<!tpu.dma_semaphore, #tpu.memory_space<semaphore_mem>>) src(%dma_wait3A_824 : memref<128x128xf32, #tpu.memory_space<vmem_shared>>) dst(%dma_wait3A_820 : memref<128x128xf32, #tpu.memory_space<hbm>>)
    return
  }
}

</mosaic_0001>

<sc_bundles>
// kernel: kernel.3.cloned.1.call-start
scs
__scs_entry_jumppad:
0x0: {  	(pc) =	sbr.rel $0x88, $3  }
0x1: {  	(tag) =	ssettag $0x0;
	lr =	simm.s32 $0x1  }
0x2: {  	[smem:$0x3F9F] =	sst lr;
	_ =	strace $0xD0000000  }
0x3: {  	_ = 	snop  }
0x4: {  	_ = 	snop  }
0x5: {  	_ = 	snop  }
0x6: {  	_ = 	snop  }
0x7: {  	_ = 	snop  }
__scs_overlays_trampoline_lowered:
0x8: {  	[smem:$0x3FAE] =	sst s0  }
0x9: {  	[smem:$0x3FAF] =	sst s1  }
0xa: {  	[smem:$0x3FB0] =	sst s2  }
0xb: {  	[smem:$0x3FB1] =	sst s3  }
0xc: {  	[smem:$0x3FB2] =	sst s4  }
0xd: {  	[smem:$0x3FB3] =	sst s5  }
0xe: {  	[smem:$0x3FB4] =	sst s6  }
0xf: {  	[smem:$0x3FB5] =	sst s7  }
0x10: {  	[smem:$0x3FB6] =	sst s8  }
0x11: {  	[smem:$0x3FB7] =	sst s9;
	s0 =	simm.s32 @!p0 $0x0  }
0x12: {  	s1 =	sld [smem:$0x3F9D];
	s0 =	simm.s32 @p0 $0x1  }
0x13: {  	[smem:$0x3FB8] =	sst s0;
	s0 =	simm.s32 @!p1 $0x0  }
0x14: {  	s2 =	sld [smem:$0x3F9C];
	s0 =	simm.s32 @p1 $0x1  }
0x15: {  	[smem:$0x3FB9] =	sst s0;
	s0 =	simm.s32 @!p2 $0x0  }
0x16: {  	s3 =	sld [smem:$0x3FDB];
	s0 =	simm.s32 @p2 $0x1  }
0x17: {  	s4 =	simm.s32 $0x1BF5;
	[smem:$0x3FBB] =	sst s0  }
0x18: {  	s0 =	sld [smem:$0x3F9E];
	_ =	swait.ge [sflag:s4], $0x0  }
0x19: {  	s7 =	sld [smem:$0x3F9F]  }
0x1a: {  	s8 =	sadd.s32 $0xFFFFE003, lr  }
0x1b: {  	s9 =	sadd.s32 $0xFFFFFEF7, lr;
	s5 =	simm.s32 $0xFFFFFFFF;
	p2 =	slt.u32 s8, $0xFFFFF086  }
0x1c: {  	p1 =	slt.u32 s9, $0xF7A;
	s5 =	simm.s32 @!p2 $0x0  }
0x1d: {  	s5 =	simm.s32 @p1 $0x1;
	p0 =	seq.s32 s7, s2  }
0x1e: {  	s7 =	smul.u32 @!p0 $0xF7A, s2;
	p2 =	seq.s32 @!p0 s5, $0x0  }
0x1f: {  	s9 =	smul.u32 $0xF7A, s1;
	s8 =	simm.s32 @!p0 $0x1BF5;
	p2 =	por !p2, p0  }
0x20: {  	[sflag:s8] =	ssyncset.s32 @!p0 $0xFFFFF086;
	s6 =	sadd.s32 @!p0 s3, s7;
	s7 =	simm.s32 @!p0 $0x108  }
0x21: {  	s3 =	sadd.s32 s3, s9;
	s6 =	sadd.s32 @!p0 $0x88, s6;
	s7 =	simm.s32 @p2 $0x1082  }
0x22: {  	[simem:s7], [sflag:s8] =	dma.local @!p0 [hbm:s6], $0xF7A  }
0x23: {  	s9 =	sor.u32 $0xD0000000, s2;
	s6 =	simm.s32 $0x108;
	_ =	swait.ge @!p0 [sflag:s8], $0x0  }
0x24: {  	s3 =	sadd.s32 $0x88, s3;
	s6 =	simm.s32 @!p1 $0x1082;
	[sflag:s4] =	ssyncset.s32 $0xFFFFF086  }
0x25: {  	[simem:s6], [sflag:s4] =	dma.local [hbm:s3], $0xF7A  }
0x26: {  	[smem:$0x3F9F] =	sst s1;
	(tag) =	ssettag s2;
	_ =	strace s9  }
0x27: {  	s1 =	sld [smem:$0x3FAF]  }
0x28: {  	s2 =	sld [smem:$0x3FB0]  }
0x29: {  	s4 =	sld [smem:$0x3FB2]  }
0x2a: {  	p0 =	seq.s32 s5, $0x0;
	s5 =	sld [smem:$0x3FB3]  }
0x2b: {  	s6 =	sld [smem:$0x3FB4]  }
0x2c: {  	s7 =	sld [smem:$0x3FB5]  }
0x2d: {  	s3 =	simm.s32 $0x108;
	s8 =	sld [smem:$0x3FB6]  }
0x2e: {  	s3 =	simm.s32 @!p0 $0x1082;
	s9 =	sld [smem:$0x3FB7]  }
0x2f: {  	lr =	sadd.s32 s0, s3;
	s0 =	sld [smem:$0x3FAE]  }
0x30: {  	s3 =	sld [smem:$0x3FB1]  }
0x31: {  	[smem:$0x3FBA] =	sst s10  }
0x32: {  	s10 =	sld [smem:$0x3FB8];
	_ =	sdelay $0x3  }
0x33: {  	p0 =	seq.s32 s10, $0x1;
	s10 =	sld [smem:$0x3FBA];
	_ =	sdelay $0x3  }
0x34: {  	[smem:$0x3FBA] =	sst s10  }
0x35: {  	s10 =	sld [smem:$0x3FB9];
	_ =	sdelay $0x3  }
0x36: {  	p1 =	seq.s32 s10, $0x1;
	s10 =	sld [smem:$0x3FBA];
	_ =	sdelay $0x3  }
0x37: {  	[smem:$0x3FBA] =	sst s10  }
0x38: {  	s10 =	sld [smem:$0x3FBB]  }
0x39: {  	_ = 	snop;
	(pc) =	sbr.ind lr, $3  }
0x3a: {  	_ = 	snop  }
0x3b: {  	_ = 	snop  }
0x3c: {  	p2 =	seq.s32 s10, $0x1;
	s10 =	sld [smem:$0x3FBA]  }
0x3d: {  	_ =	shalt  }
0x3e: {  	_ =	shalt  }
0x3f: {  	_ =	shalt  }
0x40: {  	_ =	shalt  }
0x41: {  	_ =	shalt  }
0x42: {  	_ =	shalt  }
0x43: {  	_ =	shalt  }
0x44: {  	_ =	shalt  }
0x45: {  	_ =	shalt  }
0x46: {  	_ =	shalt  }
0x47: {  	_ =	shalt  }
0x48: {  	_ =	shalt  }
0x49: {  	_ =	shalt  }
0x4a: {  	_ =	shalt  }
0x4b: {  	_ =	shalt  }
0x4c: {  	_ =	shalt  }
0x4d: {  	_ =	shalt  }
0x4e: {  	_ =	shalt  }
0x4f: {  	_ =	shalt  }
0x50: {  	_ =	shalt  }
0x51: {  	_ =	shalt  }
0x52: {  	_ =	shalt  }
0x53: {  	_ =	shalt  }
0x54: {  	_ =	shalt  }
0x55: {  	_ =	shalt  }
0x56: {  	_ =	shalt  }
0x57: {  	_ =	shalt  }
0x58: {  	_ =	shalt  }
0x59: {  	_ =	shalt  }
0x5a: {  	_ =	shalt  }
0x5b: {  	_ =	shalt  }
0x5c: {  	_ =	shalt  }
0x5d: {  	_ =	shalt  }
0x5e: {  	_ =	shalt  }
0x5f: {  	_ =	shalt  }
0x60: {  	_ =	shalt  }
0x61: {  	_ =	shalt  }
0x62: {  	_ =	shalt  }
0x63: {  	_ =	shalt  }
0x64: {  	_ =	shalt  }
0x65: {  	_ =	shalt  }
0x66: {  	_ =	shalt  }
0x67: {  	_ =	shalt  }
0x68: {  	_ =	shalt  }
0x69: {  	_ =	shalt  }
0x6a: {  	_ =	shalt  }
0x6b: {  	_ =	shalt  }
0x6c: {  	_ =	shalt  }
0x6d: {  	_ =	shalt  }
0x6e: {  	_ =	shalt  }
0x6f: {  	_ =	shalt  }
0x70: {  	_ =	shalt  }
0x71: {  	_ =	shalt  }
0x72: {  	_ =	shalt  }
0x73: {  	_ =	shalt  }
0x74: {  	_ =	shalt  }
0x75: {  	_ =	shalt  }
0x76: {  	_ =	shalt  }
0x77: {  	_ =	shalt  }
0x78: {  	_ =	shalt  }
0x79: {  	_ =	shalt  }
0x7a: {  	_ =	shalt  }
0x7b: {  	_ =	shalt  }
0x7c: {  	_ =	shalt  }
0x7d: {  	_ =	shalt  }
0x7e: {  	_ =	shalt  }
0x7f: {  	_ =	shalt  }
0x80: {  	_ =	shalt  }
0x81: {  	_ =	shalt  }
0x82: {  	_ =	shalt  }
0x83: {  	_ =	shalt  }
0x84: {  	_ =	shalt  }
0x85: {  	_ =	shalt  }
0x86: {  	_ =	shalt  }
0x87: {  	_ =	shalt  }
.Lfunc_end0:
.L_simem_size_0:
called_computation_lowered:
.L_overlay_start_0:
0x88: {  	s2 =	sld [smem:$0x3FD9]  }
0x89: {  	s3 =	sld [smem:$0x3FFE];
	_ =	sdelay $0x1  }
0x8a: {  	s1 =	srdreg.scid  }
0x8b: {  	s0 =	sand.u32 $0x1, s1  }
0x8c: {  	s18 =	sshll.u32 s0, $0xA;
	s2 =	sadd.s32 s3, s2  }
0x8d: {  	s2 =	sadd.s32 s2, s18  }
0x8e: {  	[smem:$0x3FC6] =	sst s2  }
0x8f: {  	_ = 	snop  }
0x90: {  	s2 =	sld [smem:$0x3FC9]  }
0x91: {  	s19 =	sld [smem:$0x3FC8]  }
0x92: {  	s4 =	sld [smem:$0x3FD0];
	(tm) =	ssettm $0x1  }
0x93: {  	s5 =	sld [smem:$0x3FFB];
	_ =	sdelay $0x3  }
0x94: {  	_ =	strace s5  }
0x95: {  	s5 =	sld [smem:$0x3FFC];
	_ =	sdelay $0x3  }
0x96: {  	_ =	strace s5  }
0x97: {  	s5 =	sld [smem:$0x3FFD];
	_ =	sdelay $0x3  }
0x98: {  	_ =	strace s5  }
0x99: {  	_ =	strace $0x8FFFFFFF  }
0x9a: {  	s20 =	sld [smem:$0x3FDB];
	_ =	sdelay $0x1  }
0x9b: {  	s6 =	simm.s32 $_scs_section_size  }
0x9c: {  	s7 =	simm.s32 $_size__tile_overlayer_lowered;
	s8 =	simm.s32 $_tile_overlayer_lowered  }
0x9d: {  	s23 =	simm.s32 $0x1BFF;
	s22 =	sshll.u32 s8, $0x1;
	s5 =	sadd.s32 s6, s20  }
0x9e: {  	s9 =	simm.s32 $0x0;
	s21 =	sshll.u32 s7, $0x1;
	s7 =	sadd.s32 s22, s5  }
0x9f: {  	[timem:s9], [sflag:s23] =	dma.local [hbm:s7], s21  }
0xa0: {  	_ =	swait.ge [sflag:s23], s21  }
0xa1: {  	s6 =	ssub.s32 $0x0, s21;
	[sflag:s23] =	ssyncset.done $0x0  }
0xa2: {  	[sflag:s23] =	ssyncadd.s32 s6;
	_ =	sdelay $0x1  }
0xa3: {  	s24 =	simm.s32 $0x1B8B  }
0xa4: {  	_ =	swait.ge [sflag:s24], $0x1  }
0xa5: {  	[sflag:s24] =	ssyncset.done $0x0  }
0xa6: {  	s25 =	simm.s32 $0x1B8E;
	[sflag:s24] =	ssyncadd.s32 $0xFFFFFFFF  }
0xa7: {  	s26 =	simm.s32 $execute0_lowered;
	[smem:$0x3FD2] =	sst s25  }
0xa8: {  	s6 =	sshll.u32 s26, $0x1;
	_ =	strace $0x80000046;
	[dreg:$0x1] =	wrdreg $0xFFFFFFFF  }
0xa9: {  	s28 =	simm.s32 $_size_execute0_lowered;
	s5 =	sadd.s32 s5, s6;
	[dreg:$0x0] =	wrdreg $0x0  }
0xaa: {  	s6 =	sshll.u32 s28, $0x1;
	[dreg:$0x2] =	wrdreg s5  }
0xab: {  	[dreg:$0x3] =	wrdreg s6  }
0xac: {  	[dreg:$0x4] =	wrdreg $0xC0  }
0xad: {  	_ =	task [dreg:s9], $0x5FFFF  }
0xae: {  	[dreg:$0x1] =	wrdreg $0xFFFFFFFF  }
0xaf: {  	[dreg:$0x0] =	wrdreg $0x60  }
0xb0: {  	[dreg:$0x2] =	wrdreg s2  }
0xb1: {  	[dreg:$0x3] =	wrdreg s19  }
0xb2: {  	[dreg:$0x4] =	wrdreg s4  }
0xb3: {  	[dreg:$0x5] =	wrdreg $0x11C000  }
0xb4: {  	[dreg:$0x6] =	wrdreg $0x9  }
0xb5: {  	_ =	task.clear_ibuf [dreg:s9], $0x7FFFF;
	_ =	strace $0x90000046  }
0xb6: {  	s29 =	simm.s32 $0x9;
	_ =	strace $0x80000048  }
0xb7: {  	_ =	swait.ge [sflag:s29], $0x1  }
0xb8: {  	[sflag:s29] =	ssyncadd.s32 $0xFFFFFFFF  }
0xb9: {  	_ =	strace $0x90000048  }
0xba: {  	_ =	sfence  }
0xbb: {  	s30 =	sld [smem:$0x0];
	_ =	sdelay $0x2  }
0xbc: {  	s31 =	sshll.u32 s1, $0xD;
	s1 =	sshrl.u32 s1, $0x2  }
0xbd: {  	s3 =	sand.u32 $0x4000, s31;
	s1 =	sadd.s32 s1, s30  }
0xbe: {  	s0 =	sor.u32 s3, s0;
	s1 =	sshll.u32 s1, $0x11  }
0xbf: {  	s0 =	sor.u32 s1, s0  }
0xc0: {  	s0 =	sadd.s32 $0x8F2B, s0  }
0xc1: {  	[sflag:s0] =	ssyncadd.remote.s32 $0x1  }
0xc2: {  	_ =	sfence.sel $0xFFFF  }
0xc3: {  	[dreg:$0x0] =	wrdreg $0xFFFFFFFF;
	(pc) =	sbr.abs _section_cstart, $3  }
0xc4: {  	[dreg:$0x1] =	wrdreg $0xFFFFFFFF  }
0xc5: {  	_ =	task.clear_ibuf [dreg:s9], $0x2FFFF;
	_ =	strace $0x9FFFFFFF  }
0xc6: {  	(tm) =	ssettm $0x7FFFFFFF  }
0xc7: {  	_ =	shalt  }
tec
execute0_lowered:
.L_overlay_start_1:
0x0: {  	(tag) =	ssettag $0x1  }
0x1: {  	s0 =	rddreg [dreg:$0x0]  }
0x2: {  	s1 =	rddreg [dreg:$0x1]  }
0x3: {  	s2 =	rddreg [dreg:$0x2]  }
0x4: {  	s3 =	rddreg [dreg:$0x3];
	s4 =	srdreg.scid  }
0x5: {  	s5 =	simm.s32 $0x0;
	s9 =	stileid.u32;
	s29 =	simm.s32 $0x80  }
0x6: {  	s30 =	simm.s32 $0x1C00;
	s31 =	simm.s32 $0x5C00;
	s4 =	sand.u32 $0x1, s4  }
0x7: {  	[smem:$0x7FF] =	sst s5;
	s7 =	sshll.u32 s9, $0x8;
	s10 =	sshll.u32 s9, $0xF  }
0x8: {  	s28 =	ssub.s32 $0x2, s4;
	s8 =	sshll.u32 s4, $0x7;
	_ =	strace $0x80000047  }
0x9: {  	s18 =	sshll.u32 s4, $0xE;
	s6 =	sshrl.u32 s28, $0x1;
	s8 =	sor.u32 s8, s7  }
0xa: {  	s5 =	ssub.s32 s28, s6;
	s7 =	sadd.s32 s0, s8;
	s6 =	sshll.u32 s8, $0x4  }
0xb: {  	s0 =	sor.u32 s18, s10;
	[dreg:$0x5] =	wrdreg s7;
	s7 =	sadd.s32 $0x6000, s7  }
0xc: {  	s6 =	sadd.s32 s2, s6;
	s21 =	smax.u32 s5, $0x1;
	[dreg:$0x6] =	wrdreg s7  }
0xd: {  	s22 =	sor.u32 $0x300000, s0;
	s23 =	sor.u32 $0x280000, s0;
	[dreg:$0x7] =	wrdreg s6  }
0xe: {  	s24 =	sshrl.u32 s0, $0x3;
	s0 =	sor.u32 $0x200000, s0;
	[dreg:$0x11] =	wrdreg s21  }
0xf: {  	s5 =	simm.s32 $0x0;
	s11 =	sadd.s32 $0x10000, s6;
	[dreg:$0x14] =	wrdreg s0  }
0x10: {  	s7 =	sadd.s32 s10, s3;
	s12 =	sadd.s32 $0x20000, s6;
	[dreg:$0x8] =	wrdreg s11  }
0x11: {  	s13 =	sadd.s32 $0x2B0000, s6;
	s14 =	sadd.s32 $0x2C0000, s6;
	[dreg:$0x9] =	wrdreg s12  }
0x12: {  	s15 =	sadd.s32 $0x2D0000, s6;
	s16 =	sadd.s32 $0x2E0000, s6;
	[dreg:$0xa] =	wrdreg s13  }
0x13: {  	s17 =	sadd.s32 $0x2F0000, s6;
	s19 =	sadd.s32 $0x300000, s6;
	[dreg:$0xb] =	wrdreg s14  }
0x14: {  	s20 =	sadd.s32 $0x310000, s6;
	s3 =	sshrl.u32 s22, $0x3;
	[dreg:$0xc] =	wrdreg s15  }
0x15: {  	s4 =	sshrl.u32 s23, $0x3;
	s26 =	sadd.s32 s24, s2;
	[dreg:$0xd] =	wrdreg s16  }
0x16: {  	s0 =	simm.s32 $0x1;
	s24 =	simm.s32 $0x2;
	[dreg:$0xe] =	wrdreg s17  }
0x17: {  	s6 =	simm.s32 $0x5;
	s10 =	simm.s32 $0x3;
	[dreg:$0xf] =	wrdreg s19  }
0x18: {  	s9 =	sadd.s32 $0x4000, s7;
	[dreg:$0x10] =	wrdreg s20;
	s3 =	sadd.s32 s3, s2  }
0x19: {  	s25 =	sadd.s32 s4, s2;
	s28 =	sadd.s32 $0x30000, s26;
	s19 =	simm.s32 $0x1800  }
0x1a: {  	s11 =	simm.s32 $0x7;
	s12 =	simm.s32 $0x6;
	[dreg:$0x12] =	wrdreg s3  }
0x1b: {  	s13 =	simm.s32 $0x4;
	s14 =	simm.s32 $0x8;
	[dreg:$0x13] =	wrdreg s25  }
0x1c: {  	[dreg:$0x15] =	wrdreg s28;
	s3 =	simm.s32 $0x9C00;
	s25 =	simm.s32 $0xDC00  }
.LBB2_1:
0x1d: {  	s4 =	simm.s32 $0x0  }
0x1e: {  	s8 =	rddreg [dreg:$0x5];
	s15 =	simm.s32 $0x400;
	s16 =	simm.s32 $0x8000  }
0x1f: {  	[tilespmem:s4], [sflag:$0x9] =	stream.strided.gather [hbm4b:s8+s15], $0x1800, s16, s15, $0x38;
	[tilespmem:$0x19C00] =	vst v63  }
0x20: {  	s23 =	rddreg [dreg:$0x6];
	s26 =	simm.s32 $0x9  }
0x21: {  	[tilespmem:s19], [sflag:$0x9] =	stream.linear.gather [hbm4b:s23+s4], $0x100, $0x38;
	[tilespmem:$0x19C00] =	vst v63  }
0x22: {  	_ =	swait.ge [sflag:s26], $0x1900  }
0x23: {  	[sflag:s26] =	ssyncset.done $0x0  }
0x24: {  	[sflag:s26] =	ssyncadd.s32 $0xFFFFE700  }
0x25: {  	[tilespmem:s30], [sflag:$0x1] =	stream.indirect.gather [hbm4b:s1+s29], $0x80, s4, s29, $0xb8;
	[tilespmem:$0x19C00] =	vst v63  }
0x26: {  	_ = 	snop  }
0x27: {  	[tilespmem:s31], [sflag:$0x2] =	stream.indirect.gather [hbm4b:s1+s29], $0x80, s29, s29, $0xb8;
	[tilespmem:$0x19C00] =	vst v63  }
0x28: {  	s15 =	simm.s32 $0x100  }
0x29: {  	[tilespmem:s3], [sflag:$0x3] =	stream.indirect.gather [hbm4b:s1+s29], $0x80, s15, s29, $0xb8;
	[tilespmem:$0x19C00] =	vst v63  }
0x2a: {  	s16 =	simm.s32 $0x180  }
0x2b: {  	[tilespmem:s25], [sflag:$0x4] =	stream.indirect.gather [hbm4b:s1+s29], $0x80, s16, s29, $0xb8;
	[tilespmem:$0x19C00] =	vst v63  }
0x2c: {  	_ =	swait.ge [sflag:s0], $0x4000  }
0x2d: {  	[sflag:s0] =	ssyncset.done $0x0  }
0x2e: {  	[sflag:s0] =	ssyncadd.s32 $0xFFFFC000  }
0x2f: {  	[spmem:s7] =	stream.linear.scatter [tilespmem:s30], [sflag:$0x5], $0x4000, $0x38;
	[tilespmem:$0x19C00] =	vst v63  }
0x30: {  	_ =	swait.ge [sflag:s24], $0x4000  }
0x31: {  	[sflag:s24] =	ssyncset.done $0x0  }
0x32: {  	s17 =	stileid.u32;
	[sflag:s24] =	ssyncadd.s32 $0xFFFFC000  }
0x33: {  	[spmem:s9] =	stream.linear.scatter [tilespmem:s31], [sflag:$0x6], $0x4000, $0x38;
	[tilespmem:$0x19C00] =	vst v63  }
0x34: {  	s4 =	sshll.u32 s17, $0x6;
	_ =	swait.ge [sflag:s6], $0x4000  }
0x35: {  	s19 =	simm.s32 $0x200;
	s15 =	sor.u32 $0x1C07, s4;
	[sflag:s6] =	ssyncset.done $0x0  }
0x36: {  	s16 =	sshrl.u32 s7, $0x3;
	s18 =	rddreg [dreg:$0x7];
	[sflag:s6] =	ssyncadd.s32 $0xFFFFC000  }
0x37: {  	[hbm:s18], [sflag:s15] =	dma.local [spmem:s16], $0x800  }
0x38: {  	[tilespmem:s30], [sflag:$0x1] =	stream.indirect.gather [hbm4b:s1+s29], $0x80, s19, s29, $0xb8;
	[tilespmem:$0x19C00] =	vst v63  }
0x39: {  	_ =	swait.ge [sflag:s10], $0x4000  }
0x3a: {  	[sflag:s10] =	ssyncset.done $0x0  }
0x3b: {  	[sflag:s10] =	ssyncadd.s32 $0xFFFFC000  }
0x3c: {  	_ =	swait.ge [sflag:s11], $0x800  }
0x3d: {  	[sflag:s11] =	ssyncset.done $0x0  }
0x3e: {  	[sflag:s11] =	ssyncadd.s32 $0xFFFFF800  }
0x3f: {  	[spmem:s7] =	stream.linear.scatter [tilespmem:s3], [sflag:$0x5], $0x4000, $0x38;
	[tilespmem:$0x19C00] =	vst v63  }
0x40: {  	_ =	swait.ge [sflag:s12], $0x4000  }
0x41: {  	s21 =	simm.s32 $0x280;
	s17 =	sor.u32 $0x1C08, s4;
	[sflag:s12] =	ssyncset.done $0x0  }
0x42: {  	s18 =	sshrl.u32 s9, $0x3;
	s20 =	rddreg [dreg:$0x8];
	[sflag:s12] =	ssyncadd.s32 $0xFFFFC000  }
0x43: {  	[hbm:s20], [sflag:s17] =	dma.local [spmem:s18], $0x800  }
0x44: {  	[tilespmem:s31], [sflag:$0x2] =	stream.indirect.gather [hbm4b:s1+s29], $0x80, s21, s29, $0xb8;
	[tilespmem:$0x19C00] =	vst v63  }
0x45: {  	_ =	swait.ge [sflag:s13], $0x4000  }
0x46: {  	[sflag:s13] =	ssyncset.done $0x0  }
0x47: {  	[sflag:s13] =	ssyncadd.s32 $0xFFFFC000  }
0x48: {  	_ =	swait.ge [sflag:s14], $0x800  }
0x49: {  	[sflag:s14] =	ssyncset.done $0x0  }
0x4a: {  	[sflag:s14] =	ssyncadd.s32 $0xFFFFF800  }
0x4b: {  	[spmem:s9] =	stream.linear.scatter [tilespmem:s25], [sflag:$0x6], $0x4000, $0x38;
	[tilespmem:$0x19C00] =	vst v63  }
0x4c: {  	_ =	swait.ge [sflag:s6], $0x4000  }
0x4d: {  	[sflag:s6] =	ssyncset.done $0x0  }
0x4e: {  	s23 =	simm.s32 $0x300;
	s22 =	rddreg [dreg:$0x9];
	[sflag:s6] =	ssyncadd.s32 $0xFFFFC000  }
0x4f: {  	[hbm:s22], [sflag:s15] =	dma.local [spmem:s16], $0x800  }
0x50: {  	[tilespmem:s3], [sflag:$0x3] =	stream.indirect.gather [hbm4b:s1+s29], $0x80, s23, s29, $0xb8;
	[tilespmem:$0x19C00] =	vst v63  }
0x51: {  	_ =	swait.ge [sflag:s0], $0x4000  }
0x52: {  	[sflag:s0] =	ssyncset.done $0x0  }
0x53: {  	[sflag:s0] =	ssyncadd.s32 $0xFFFFC000  }
0x54: {  	_ =	swait.ge [sflag:s11], $0x800  }
0x55: {  	[sflag:s11] =	ssyncset.done $0x0  }
0x56: {  	[sflag:s11] =	ssyncadd.s32 $0xFFFFF800  }
0x57: {  	[spmem:s7] =	stream.linear.scatter [tilespmem:s30], [sflag:$0x5], $0x4000, $0x38;
	[tilespmem:$0x19C00] =	vst v63  }
0x58: {  	_ =	swait.ge [sflag:s12], $0x4000  }
0x59: {  	[sflag:s12] =	ssyncset.done $0x0  }
0x5a: {  	s26 =	simm.s32 $0x380;
	s21 =	rddreg [dreg:$0x15];
	[sflag:s12] =	ssyncadd.s32 $0xFFFFC000  }
0x5b: {  	[hbm:s21], [sflag:s17] =	dma.local [spmem:s18], $0x800  }
0x5c: {  	[tilespmem:s25], [sflag:$0x4] =	stream.indirect.gather [hbm4b:s1+s29], $0x80, s26, s29, $0xb8;
	[tilespmem:$0x19C00] =	vst v63  }
0x5d: {  	_ =	swait.ge [sflag:s24], $0x4000  }
0x5e: {  	[sflag:s24] =	ssyncset.done $0x0  }
0x5f: {  	[sflag:s24] =	ssyncadd.s32 $0xFFFFC000  }
0x60: {  	_ =	swait.ge [sflag:s14], $0x800  }
0x61: {  	[sflag:s14] =	ssyncset.done $0x0  }
0x62: {  	[sflag:s14] =	ssyncadd.s32 $0xFFFFF800  }
0x63: {  	[spmem:s9] =	stream.linear.scatter [tilespmem:s31], [sflag:$0x6], $0x4000, $0x38;
	[tilespmem:$0x19C00] =	vst v63  }
0x64: {  	_ =	swait.ge [sflag:s6], $0x4000  }
0x65: {  	s20 =	rddreg [dreg:$0x14]  }
0x66: {  	[sflag:s6] =	ssyncset.done $0x0;
	s8 =	sshrl.u32 s20, $0x3  }
0x67: {  	s19 =	simm.s32 $0x400;
	[sflag:s6] =	ssyncadd.s32 $0xFFFFC000;
	s4 =	sadd.s32 s2, s8  }
0x68: {  	[hbm:s4], [sflag:s15] =	dma.local [spmem:s16], $0x800  }
0x69: {  	[tilespmem:s30], [sflag:$0x1] =	stream.indirect.gather [hbm4b:s1+s29], $0x80, s19, s29, $0xb8;
	[tilespmem:$0x19C00] =	vst v63  }
0x6a: {  	_ =	swait.ge [sflag:s10], $0x4000  }
0x6b: {  	[sflag:s10] =	ssyncset.done $0x0  }
0x6c: {  	[sflag:s10] =	ssyncadd.s32 $0xFFFFC000  }
0x6d: {  	_ =	swait.ge [sflag:s11], $0x800  }
0x6e: {  	[sflag:s11] =	ssyncset.done $0x0  }
0x6f: {  	[sflag:s11] =	ssyncadd.s32 $0xFFFFF800  }
0x70: {  	[spmem:s7] =	stream.linear.scatter [tilespmem:s3], [sflag:$0x5], $0x4000, $0x38;
	[tilespmem:$0x19C00] =	vst v63  }
0x71: {  	_ =	swait.ge [sflag:s12], $0x4000  }
0x72: {  	[sflag:s12] =	ssyncset.done $0x0  }
0x73: {  	s22 =	simm.s32 $0x480;
	s23 =	rddreg [dreg:$0x13];
	[sflag:s12] =	ssyncadd.s32 $0xFFFFC000  }
0x74: {  	[hbm:s23], [sflag:s17] =	dma.local [spmem:s18], $0x800  }
0x75: {  	[tilespmem:s31], [sflag:$0x2] =	stream.indirect.gather [hbm4b:s1+s29], $0x80, s22, s29, $0xb8;
	[tilespmem:$0x19C00] =	vst v63  }
0x76: {  	_ =	swait.ge [sflag:s13], $0x4000  }
0x77: {  	[sflag:s13] =	ssyncset.done $0x0  }
0x78: {  	[sflag:s13] =	ssyncadd.s32 $0xFFFFC000  }
0x79: {  	_ =	swait.ge [sflag:s14], $0x800  }
0x7a: {  	[sflag:s14] =	ssyncset.done $0x0  }
0x7b: {  	s26 =	sadd.s32 $0x40000, s21;
	[sflag:s14] =	ssyncadd.s32 $0xFFFFF800  }
0x7c: {  	[spmem:s9] =	stream.linear.scatter [tilespmem:s25], [sflag:$0x6], $0x4000, $0x38;
	[tilespmem:$0x19C00] =	vst v63  }
0x7d: {  	s4 =	sadd.s32 $0x200000, s20;
	s19 =	simm.s32 $0x800;
	_ =	swait.ge [sflag:s6], $0x4000  }
0x7e: {  	s8 =	sadd.s32 $0x40000, s23;
	[sflag:s6] =	ssyncset.done $0x0;
	s20 =	rddreg [dreg:$0x12]  }
0x7f: {  	s22 =	simm.s32 $0x500;
	[sflag:s6] =	ssyncadd.s32 $0xFFFFC000;
	s28 =	sadd.s32 $0x40000, s20  }
.LBB2_2:
0x80: {  	[hbm:s20], [sflag:s15] =	dma.local [spmem:s16], $0x800  }
0x81: {  	s21 =	smov.u32 s19;
	s20 =	smov.u32 s28  }
0x82: {  	[tilespmem:s3], [sflag:$0x3] =	stream.indirect.gather [hbm4b:s1+s29], $0x80, s22, s29, $0xb8;
	[tilespmem:$0x19C00] =	vst v63  }
0x83: {  	p0 =	sne.s32 s19, $0x4800;
	s19 =	sadd.s32 $0x800, s19;
	_ =	swait.ge [sflag:s0], $0x4000  }
0x84: {  	[sflag:s0] =	ssyncset.done $0x0  }
0x85: {  	[sflag:s0] =	ssyncadd.s32 $0xFFFFC000  }
0x86: {  	_ =	swait.ge [sflag:s11], $0x800  }
0x87: {  	[sflag:s11] =	ssyncset.done $0x0  }
0x88: {  	[sflag:s11] =	ssyncadd.s32 $0xFFFFF800  }
0x89: {  	[spmem:s7] =	stream.linear.scatter [tilespmem:s30], [sflag:$0x5], $0x4000, $0x38;
	[tilespmem:$0x19C00] =	vst v63  }
0x8a: {  	_ =	swait.ge [sflag:s12], $0x4000  }
0x8b: {  	[sflag:s12] =	ssyncset.done $0x0  }
0x8c: {  	s22 =	sshra.s32 s21, $0x2;
	[sflag:s12] =	ssyncadd.s32 $0xFFFFC000  }
0x8d: {  	[hbm:s26], [sflag:s17] =	dma.local [spmem:s18], $0x800  }
0x8e: {  	s21 =	sadd.s32 $0x380, s22  }
0x8f: {  	[tilespmem:s25], [sflag:$0x4] =	stream.indirect.gather [hbm4b:s1+s29], $0x80, s21, s29, $0xb8;
	[tilespmem:$0x19C00] =	vst v63  }
0x90: {  	_ =	swait.ge [sflag:s24], $0x4000  }
0x91: {  	[sflag:s24] =	ssyncset.done $0x0  }
0x92: {  	[sflag:s24] =	ssyncadd.s32 $0xFFFFC000  }
0x93: {  	_ =	swait.ge [sflag:s14], $0x800  }
0x94: {  	[sflag:s14] =	ssyncset.done $0x0  }
0x95: {  	[sflag:s14] =	ssyncadd.s32 $0xFFFFF800  }
0x96: {  	[spmem:s9] =	stream.linear.scatter [tilespmem:s31], [sflag:$0x6], $0x4000, $0x38;
	[tilespmem:$0x19C00] =	vst v63  }
0x97: {  	s21 =	sshrl.u32 s4, $0x3;
	_ =	swait.ge [sflag:s6], $0x4000  }
0x98: {  	s21 =	sadd.s32 s2, s21;
	[sflag:s6] =	ssyncset.done $0x0  }
0x99: {  	s23 =	sadd.s32 $0x400, s22;
	[sflag:s6] =	ssyncadd.s32 $0xFFFFC000  }
0x9a: {  	[hbm:s21], [sflag:s15] =	dma.local [spmem:s16], $0x800  }
0x9b: {  	[tilespmem:s30], [sflag:$0x1] =	stream.indirect.gather [hbm4b:s1+s29], $0x80, s23, s29, $0xb8;
	[tilespmem:$0x19C00] =	vst v63  }
0x9c: {  	_ =	swait.ge [sflag:s10], $0x4000  }
0x9d: {  	[sflag:s10] =	ssyncset.done $0x0  }
0x9e: {  	[sflag:s10] =	ssyncadd.s32 $0xFFFFC000  }
0x9f: {  	_ =	swait.ge [sflag:s11], $0x800  }
0xa0: {  	[sflag:s11] =	ssyncset.done $0x0  }
0xa1: {  	[sflag:s11] =	ssyncadd.s32 $0xFFFFF800  }
0xa2: {  	[spmem:s7] =	stream.linear.scatter [tilespmem:s3], [sflag:$0x5], $0x4000, $0x38;
	[tilespmem:$0x19C00] =	vst v63  }
0xa3: {  	_ =	swait.ge [sflag:s12], $0x4000  }
0xa4: {  	[sflag:s12] =	ssyncset.done $0x0  }
0xa5: {  	s21 =	sadd.s32 $0x480, s22;
	[sflag:s12] =	ssyncadd.s32 $0xFFFFC000  }
0xa6: {  	[hbm:s8], [sflag:s17] =	dma.local [spmem:s18], $0x800  }
0xa7: {  	[tilespmem:s31], [sflag:$0x2] =	stream.indirect.gather [hbm4b:s1+s29], $0x80, s21, s29, $0xb8;
	[tilespmem:$0x19C00] =	vst v63  }
0xa8: {  	_ =	swait.ge [sflag:s13], $0x4000  }
0xa9: {  	[sflag:s13] =	ssyncset.done $0x0  }
0xaa: {  	[sflag:s13] =	ssyncadd.s32 $0xFFFFC000  }
0xab: {  	_ =	swait.ge [sflag:s14], $0x800  }
0xac: {  	[sflag:s14] =	ssyncset.done $0x0  }
.Ltmp0:
0xad: {  	[sflag:s14] =	ssyncadd.s32 $0xFFFFF800;
	(pc) =	sbr.rel @p0 .LBB2_2-.Ltmp0, $4  }
0xae: {  	[spmem:s9] =	stream.linear.scatter [tilespmem:s25], [sflag:$0x6], $0x4000, $0x38;
	[tilespmem:$0x19C00] =	vst v63  }
0xaf: {  	s26 =	sadd.s32 $0x40000, s26;
	_ =	swait.ge [sflag:s6], $0x4000  }
0xb0: {  	s4 =	sadd.s32 $0x200000, s4;
	s8 =	sadd.s32 $0x40000, s8;
	[sflag:s6] =	ssyncset.done $0x0  }
0xb1: {  	s28 =	sadd.s32 $0x40000, s28;
	s22 =	sadd.s32 $0x500, s22;
	[sflag:s6] =	ssyncadd.s32 $0xFFFFC000  }
0xb2: {  	[hbm:s20], [sflag:s15] =	dma.local [spmem:s16], $0x800  }
0xb3: {  	[tilespmem:s3], [sflag:$0x3] =	stream.indirect.gather [hbm4b:s1+s29], $0x80, s22, s29, $0xb8;
	[tilespmem:$0x19C00] =	vst v63  }
0xb4: {  	_ =	swait.ge [sflag:s0], $0x4000  }
0xb5: {  	[sflag:s0] =	ssyncset.done $0x0  }
0xb6: {  	[sflag:s0] =	ssyncadd.s32 $0xFFFFC000  }
0xb7: {  	_ =	swait.ge [sflag:s11], $0x800  }
0xb8: {  	[sflag:s11] =	ssyncset.done $0x0  }
0xb9: {  	[sflag:s11] =	ssyncadd.s32 $0xFFFFF800  }
0xba: {  	[spmem:s7] =	stream.linear.scatter [tilespmem:s30], [sflag:$0x5], $0x4000, $0x38;
	[tilespmem:$0x19C00] =	vst v63  }
0xbb: {  	_ =	swait.ge [sflag:s12], $0x4000  }
0xbc: {  	[sflag:s12] =	ssyncset.done $0x0  }
0xbd: {  	s26 =	simm.s32 $0x1780;
	s4 =	rddreg [dreg:$0xa];
	[sflag:s12] =	ssyncadd.s32 $0xFFFFC000  }
0xbe: {  	[hbm:s4], [sflag:s17] =	dma.local [spmem:s18], $0x800  }
0xbf: {  	[tilespmem:s25], [sflag:$0x4] =	stream.indirect.gather [hbm4b:s1+s29], $0x80, s26, s29, $0xb8;
	[tilespmem:$0x19C00] =	vst v63  }
0xc0: {  	_ =	swait.ge [sflag:s24], $0x4000  }
0xc1: {  	[sflag:s24] =	ssyncset.done $0x0  }
0xc2: {  	[sflag:s24] =	ssyncadd.s32 $0xFFFFC000  }
0xc3: {  	_ =	swait.ge [sflag:s14], $0x800  }
0xc4: {  	[sflag:s14] =	ssyncset.done $0x0  }
0xc5: {  	[sflag:s14] =	ssyncadd.s32 $0xFFFFF800  }
0xc6: {  	[spmem:s9] =	stream.linear.scatter [tilespmem:s31], [sflag:$0x6], $0x4000, $0x38;
	[tilespmem:$0x19C00] =	vst v63  }
0xc7: {  	_ =	swait.ge [sflag:s6], $0x4000  }
0xc8: {  	[sflag:s6] =	ssyncset.done $0x0  }
0xc9: {  	s19 =	simm.s32 $0x1800;
	s28 =	rddreg [dreg:$0xb];
	[sflag:s6] =	ssyncadd.s32 $0xFFFFC000  }
0xca: {  	[hbm:s28], [sflag:s15] =	dma.local [spmem:s16], $0x800  }
0xcb: {  	[tilespmem:s30], [sflag:$0x1] =	stream.indirect.gather [hbm4b:s1+s29], $0x80, s19, s29, $0xb8;
	[tilespmem:$0x19C00] =	vst v63  }
0xcc: {  	_ =	swait.ge [sflag:s10], $0x4000  }
0xcd: {  	[sflag:s10] =	ssyncset.done $0x0  }
0xce: {  	[sflag:s10] =	ssyncadd.s32 $0xFFFFC000  }
0xcf: {  	_ =	swait.ge [sflag:s11], $0x800  }
0xd0: {  	[sflag:s11] =	ssyncset.done $0x0  }
0xd1: {  	[sflag:s11] =	ssyncadd.s32 $0xFFFFF800  }
0xd2: {  	[spmem:s7] =	stream.linear.scatter [tilespmem:s3], [sflag:$0x5], $0x4000, $0x38;
	[tilespmem:$0x19C00] =	vst v63  }
0xd3: {  	_ =	swait.ge [sflag:s12], $0x4000  }
0xd4: {  	[sflag:s12] =	ssyncset.done $0x0  }
0xd5: {  	s20 =	simm.s32 $0x1880;
	s8 =	rddreg [dreg:$0xc];
	[sflag:s12] =	ssyncadd.s32 $0xFFFFC000  }
0xd6: {  	[hbm:s8], [sflag:s17] =	dma.local [spmem:s18], $0x800  }
0xd7: {  	[tilespmem:s31], [sflag:$0x2] =	stream.indirect.gather [hbm4b:s1+s29], $0x80, s20, s29, $0xb8;
	[tilespmem:$0x19C00] =	vst v63  }
0xd8: {  	_ =	swait.ge [sflag:s13], $0x4000  }
0xd9: {  	[sflag:s13] =	ssyncset.done $0x0  }
0xda: {  	[sflag:s13] =	ssyncadd.s32 $0xFFFFC000  }
0xdb: {  	_ =	swait.ge [sflag:s14], $0x800  }
0xdc: {  	[sflag:s14] =	ssyncset.done $0x0  }
0xdd: {  	[sflag:s14] =	ssyncadd.s32 $0xFFFFF800  }
0xde: {  	[spmem:s9] =	stream.linear.scatter [tilespmem:s25], [sflag:$0x6], $0x4000, $0x38;
	[tilespmem:$0x19C00] =	vst v63  }
0xdf: {  	_ =	swait.ge [sflag:s6], $0x4000  }
0xe0: {  	[sflag:s6] =	ssyncset.done $0x0  }
0xe1: {  	s21 =	rddreg [dreg:$0xd];
	[sflag:s6] =	ssyncadd.s32 $0xFFFFC000  }
0xe2: {  	[hbm:s21], [sflag:s15] =	dma.local [spmem:s16], $0x800  }
0xe3: {  	_ =	swait.ge [sflag:s0], $0x4000  }
0xe4: {  	[sflag:s0] =	ssyncset.done $0x0  }
0xe5: {  	[sflag:s0] =	ssyncadd.s32 $0xFFFFC000  }
0xe6: {  	_ =	swait.ge [sflag:s11], $0x800  }
0xe7: {  	[sflag:s11] =	ssyncset.done $0x0  }
0xe8: {  	[sflag:s11] =	ssyncadd.s32 $0xFFFFF800  }
0xe9: {  	[spmem:s7] =	stream.linear.scatter [tilespmem:s30], [sflag:$0x5], $0x4000, $0x38;
	[tilespmem:$0x19C00] =	vst v63  }
0xea: {  	_ =	swait.ge [sflag:s12], $0x4000  }
0xeb: {  	[sflag:s12] =	ssyncset.done $0x0  }
0xec: {  	s22 =	rddreg [dreg:$0xe];
	[sflag:s12] =	ssyncadd.s32 $0xFFFFC000  }
0xed: {  	[hbm:s22], [sflag:s17] =	dma.local [spmem:s18], $0x800  }
0xee: {  	_ =	swait.ge [sflag:s24], $0x4000  }
0xef: {  	[sflag:s24] =	ssyncset.done $0x0  }
0xf0: {  	[sflag:s24] =	ssyncadd.s32 $0xFFFFC000  }
0xf1: {  	_ =	swait.ge [sflag:s14], $0x800  }
0xf2: {  	[sflag:s14] =	ssyncset.done $0x0  }
0xf3: {  	[sflag:s14] =	ssyncadd.s32 $0xFFFFF800  }
0xf4: {  	[spmem:s9] =	stream.linear.scatter [tilespmem:s31], [sflag:$0x6], $0x4000, $0x38;
	[tilespmem:$0x19C00] =	vst v63  }
0xf5: {  	_ =	swait.ge [sflag:s6], $0x4000  }
0xf6: {  	[sflag:s6] =	ssyncset.done $0x0  }
0xf7: {  	s23 =	rddreg [dreg:$0xf];
	[sflag:s6] =	ssyncadd.s32 $0xFFFFC000  }
0xf8: {  	[hbm:s23], [sflag:s15] =	dma.local [spmem:s16], $0x800  }
0xf9: {  	_ =	swait.ge [sflag:s12], $0x4000  }
0xfa: {  	[sflag:s12] =	ssyncset.done $0x0  }
0xfb: {  	s26 =	rddreg [dreg:$0x10];
	[sflag:s12] =	ssyncadd.s32 $0xFFFFC000  }
0xfc: {  	[hbm:s26], [sflag:s17] =	dma.local [spmem:s18], $0x800  }
0xfd: {  	_ =	swait.ge [sflag:s11], $0x800  }
0xfe: {  	[sflag:s11] =	ssyncset.done $0x0  }
0xff: {  	[sflag:s11] =	ssyncadd.s32 $0xFFFFF800  }
0x100: {  	_ =	swait.ge [sflag:s14], $0x800  }
0x101: {  	s5 =	sadd.s32 $0x1, s5;
	s28 =	rddreg [dreg:$0x11]  }
0x102: {  	p0 =	sne.s32 s5, s28  }
.Ltmp1:
0x103: {  	_ = 	snop;
	(pc) =	sbr.rel @p0 .LBB2_1-.Ltmp1, $3  }
0x104: {  	_ =	sdelay $0x1  }
0x105: {  	[sflag:s14] =	ssyncset.done $0x0  }
0x106: {  	[sflag:s14] =	ssyncadd.s32 $0xFFFFF800  }
0x107: {  	_ =	sfence.sel $0x180000  }
0x108: {  	[bflag:$0x0] =	sbarrier.arrive $0xFFFF  }
0x109: {  	_ =	strace $0x90000047  }
0x10a: {  	s0 =	stileid.u32;
	[bflag:$0x2] =	sbarrier.arrive $0xFFFF  }
0x10b: {  	p0 =	sne.s32 s0, $0x0;
	s0 =	rddreg [dreg:$0x4]  }
0x10c: {  	s0 =	sadd.s32 @!p0 $0x100000, s0  }
0x10d: {  	[sflag:s0] =	ssyncadd.tile.s32 @!p0 $0x1;
	_ =	shalt  }
.Lfunc_end2:
_tile_overlayer_lowered:
.L_overlay_start_2:
0x10e: {  	(tag) =	ssettag $0x2  }
0x10f: {  	s0 =	rddreg [dreg:$0x0];
	s2 =	stileid.u32  }
0x110: {  	s1 =	rddreg [dreg:$0x1];
	p0 =	sne.s32 s2, $0x0  }
0x111: {  	s3 =	rddreg [dreg:$0x2];
	[bflag:$0x3] =	sbarrier.arrive $0xFFFF;
	s2 =	simm.s32 @!p0 $0x1C09  }
0x112: {  	[timem:s3], [sflag:s2] =	dma.local @!p0 [hbm:s0], s1  }
0x113: {  	s0 =	simm.s32 @!p0 $0x9  }
0x114: {  	_ =	swait.ge @!p0 [sflag:s0], s1  }
0x115: {  	s1 =	ssub.s32 @!p0 $0x0, s1;
	[sflag:s0] =	ssyncset.done @!p0 $0x0  }
0x116: {  	[sflag:s0] =	ssyncadd.s32 @!p0 s1  }
0x117: {  	[bflag:$0x3] =	sbarrier.arrive $0xFFFF  }
0x118: {  	_ =	shalt  }

</sc_bundles>
